<compile_context>
chip_gen: v7x
topology: tpu7x:2x2x1
jax: 0.10.2.dev20260603
libtpu: 0.0.44.dev20260713+nightly
codegen_flags: <defaults>
</compile_context>

<pallas_src>
import functools

import numpy as np
import jax
import jax.numpy as jnp
from jax import lax
from jax.experimental import pallas as pl
from jax.experimental.pallas import tpu as pltpu
from jax.experimental.pallas import tpu_sc as plsc

B = 16
L = 1024
NW = 32
ROWS_PER_W = 512
RB = 8
NBLK = ROWS_PER_W // RB
NCH = L // 16
TSIZE = 304
ZIDX = 288


def _build_t2d() -> np.ndarray:
    V = np.zeros((4, 4), dtype=np.float32)
    for (x, y) in [(0, 3), (3, 0), (3, 2), (2, 1), (2, 3), (1, 2)]:
        V[x, y] = 1.0
    SE = 0.5 * V[:, :, None, None] * V[None, None, :, :]
    stacking = {
        (0, 3, 0, 3): 0.9, (0, 3, 2, 1): 1.1, (0, 3, 2, 3): 0.8,
        (2, 1, 0, 3): 1.1, (2, 1, 2, 1): 1.3, (2, 1, 2, 3): 1.0,
        (2, 3, 0, 3): 0.8, (2, 3, 2, 1): 1.0, (2, 3, 2, 3): 0.7,
    }
    for k, v in stacking.items():
        SE[k] = v
    r = np.arange(16)
    c = np.arange(16)
    M2 = SE[r[:, None] // 4, c[None, :] // 4, r[:, None] % 4, c[None, :] % 4]
    TAB = np.zeros(TSIZE, dtype=np.float32)
    for rr in range(16):
        TAB[17 * rr:17 * rr + 16] = M2[rr]
    return (TAB[:, None] + TAB[None, :]).reshape(-1)


_T2D = _build_t2d()


def _sc_update(bp_flat, ia, jv, t2d):
    mesh = plsc.VectorSubcoreMesh(
        core_axis_name="c", subcore_axis_name="s", num_cores=2, num_subcores=16
    )

    @functools.partial(
        pl.kernel,
        out_type=jax.ShapeDtypeStruct((B, L * L), jnp.float32),
        mesh=mesh,
        compiler_params=pltpu.CompilerParams(needs_layout_passes=False),
        scratch_types=[
            pltpu.VMEM((TSIZE * TSIZE,), jnp.float32),
            pltpu.VMEM((4 * L,), jnp.int32),
            pltpu.VMEM((4 * L,), jnp.int32),
            pltpu.VMEM((RB * L,), jnp.float32),
            pltpu.VMEM((RB * L,), jnp.float32),
        ],
    )
    def k(bp_hbm, ia_hbm, jv_hbm, t2d_hbm, out_hbm, t2d_v, ia_v, jv_v, in_v, out_v):
        cid = lax.axis_index("c")
        sid = lax.axis_index("s")
        wid = sid * 2 + cid
        batch = wid // 2
        half = wid % 2

        pltpu.sync_copy(t2d_hbm, t2d_v)
        pltpu.sync_copy(ia_hbm.at[batch], ia_v)
        pltpu.sync_copy(jv_hbm.at[batch], jv_v)

        iota = lax.iota(jnp.int32, 16)
        zrow = jnp.full((16,), ZIDX * TSIZE, jnp.int32)
        zcol = jnp.full((16,), ZIDX, jnp.int32)

        def block_body(blk, _):
            r0 = half * ROWS_PER_W + blk * RB
            pltpu.sync_copy(bp_hbm.at[batch, pl.ds(r0 * L, RB * L)], in_v)

            def row_body(r, _):
                i = r0 + r
                ia1 = plsc.load_gather(ia_v, [jnp.full((16,), i, jnp.int32)])
                ia2 = plsc.load_gather(ia_v, [jnp.full((16,), L + i, jnp.int32)])
                ia3 = plsc.load_gather(ia_v, [jnp.full((16,), 2 * L + i, jnp.int32)])
                ia4 = plsc.load_gather(ia_v, [jnp.full((16,), 3 * L + i, jnp.int32)])

                def chunk_body(cq, _):
                    for u in range(4):
                        j0 = cq * 64 + u * 16
                        d = iota + (j0 - i)
                        x_u = jnp.where(d > 3, ia1 + jv_v[pl.ds(j0, 16)], zrow)
                        y_u = jnp.where(d > 1, ia3 + jv_v[pl.ds(2 * L + j0, 16)], zcol)
                        x_l = jnp.where(d < -3, ia2 + jv_v[pl.ds(L + j0, 16)], zrow)
                        y_l = jnp.where(d < -1, ia4 + jv_v[pl.ds(3 * L + j0, 16)], zcol)
                        g_u = plsc.load_gather(t2d_v, [x_u + y_u])
                        g_l = plsc.load_gather(t2d_v, [x_l + y_l])
                        base = r * L + j0
                        out_v[pl.ds(base, 16)] = in_v[pl.ds(base, 16)] + g_u + g_l
                    return 0

                lax.fori_loop(0, NCH // 4, chunk_body, 0)
                return 0

            lax.fori_loop(0, RB, row_body, 0)
            pltpu.sync_copy(out_v, out_hbm.at[batch, pl.ds(r0 * L, RB * L)])
            return 0

        lax.fori_loop(0, NBLK, block_body, 0)

    return k(bp_flat, ia, jv, t2d)


@jax.jit
def kernel(bp_scores, sequences, sequence_lengths):
    s = sequences.astype(jnp.int32)
    ln = sequence_lengths.astype(jnp.int32)[:, None]
    pos = jnp.arange(L, dtype=jnp.int32)[None, :]

    a = 4 * s + jnp.roll(s, -1, axis=1)
    bb = 4 * s + jnp.roll(s, 1, axis=1)
    ap = jnp.roll(a, 1, axis=1)
    bn = jnp.roll(bb, -1, axis=1)

    ia1 = jnp.where(pos < ln - 1, 17 * a, 272) * TSIZE
    jv1 = jnp.where(pos < ln, bb, 16) * TSIZE
    ia3 = jnp.where((pos >= 1) & (pos < ln), 17 * ap, 272)
    jv3 = jnp.where(pos < ln - 1, bn, 16)
    ia2 = jnp.where(pos < ln, bb, 16) * TSIZE
    jv2 = jnp.where(pos < ln - 1, 17 * a, 272) * TSIZE
    ia4 = jnp.where(pos < ln - 1, bn, 16)
    jv4 = jnp.where((pos >= 1) & (pos < ln), 17 * ap, 272)

    ia = jnp.stack([ia1, ia2, ia3, ia4], axis=1).reshape(B, 4 * L).astype(jnp.int32)
    jv = jnp.stack([jv1, jv2, jv3, jv4], axis=1).reshape(B, 4 * L).astype(jnp.int32)
    t2d = jnp.asarray(_T2D)

    out = _sc_update(bp_scores.reshape(B, L * L), ia, jv, t2d)
    return out.reshape(B, L, L)

# --- scband reference (transcript-rebuilt; emitter-appended) ---
"""Pipeline reference for scband-structural-constraints-30897994727575 (READ-ONLY COPY).

The authoritative reference and input builder live on the scoring server;
editing this copy changes nothing except your own understanding.
"""

import jax, jax.numpy as jnp
import numpy as np

MIN_BP = 3

# Nucleotide encoding: A=0, C=1, G=2, U=3

def _build_tables():
    V = np.zeros((4, 4), dtype=np.float32)
    # valid pairs: A-U, U-A, U-G, G-C, G-U, C-G
    for (a, b) in [(0, 3), (3, 0), (3, 2), (2, 1), (2, 3), (1, 2)]:
        V[a, b] = 1.0
    # SE[i,j,k,l] = stacking energy for pairs (i,j) and (k,l)
    SE = 0.5 * V[:, :, None, None] * V[None, None, :, :]
    stacking = {
        (0, 3, 0, 3): 0.9, (0, 3, 2, 1): 1.1, (0, 3, 2, 3): 0.8,
        (2, 1, 0, 3): 1.1, (2, 1, 2, 1): 1.3, (2, 1, 2, 3): 1.0,
        (2, 3, 0, 3): 0.8, (2, 3, 2, 1): 1.0, (2, 3, 2, 3): 0.7,
    }
    for k, v in stacking.items():
        SE[k] = v
    return SE

_SE = jnp.asarray(_build_tables())


def setup_inputs(seed: int = 0) -> dict:
    key = jax.random.key(seed)
    k1, k2, k3 = jax.random.split(key, 3)
    bp_scores = jax.random.normal(k1, (16, 1024, 1024), dtype=jnp.float32)
    sequences = jax.random.randint(k2, (16, 1024), 0, 4, dtype=jnp.int32)
    sequence_lengths = jax.random.randint(k3, (16,), 0, 1024, dtype=jnp.int32)
    return {"bp_scores": bp_scores, "sequences": sequences, "sequence_lengths": sequence_lengths}


def reference(bp_scores, sequences, sequence_lengths):
    B, L, _ = bp_scores.shape
    si = sequences
    # seq[i+1] along axis1 (value at i=L-1 unused, masked out)
    ni = jnp.concatenate([si[:, 1:], si[:, :1]], axis=1)
    # seq[j-1] along axis1 (value at j=0 unused since j >= MIN_BP+1)
    pj = jnp.concatenate([si[:, :1], si[:, :-1]], axis=1)
    # E[b,i,j] = SE[seq[i], seq[j], seq[i+1], seq[j-1]]  (4D gather)
    E = _SE[si[:, :, None], si[:, None, :], ni[:, :, None], pj[:, None, :]]
    ii = jnp.arange(L)
    jj = jnp.arange(L)
    lens = sequence_lengths.astype(jnp.int32)[:, None, None]
    m = (
        (jj[None, None, :] - ii[None, :, None] > MIN_BP)
        & (ii[None, :, None] < lens - 1)
        & (jj[None, None, :] < lens)
    )
    A = E * m.astype(bp_scores.dtype)
    # scatter contribution at (i+1, j-1) from (i, j)
    S = jnp.zeros_like(A).at[:, 1:, : L - 1].add(A[:, : L - 1, 1:])
    updated = bp_scores + A + jnp.swapaxes(A, 1, 2) + S + jnp.swapaxes(S, 1, 2)
    return updated

if __name__ == "__main__":
    import jax
    _d = setup_inputs()
    print(jax.jit(kernel)(*tuple(_d.values())))

</pallas_src>

<mosaic_0001>
#map = affine_map<(d0, d1) -> (0, 0)>
#map1 = affine_map<(d0, d1) -> (0)>
module attributes {stable_mosaic.version = 14 : i64} {
  func.func @k(%arg0: i32, %arg1: i32, %arg2: memref<16x1048576xf32, #tpu.memory_space<hbm>>, %arg3: memref<16x4096xi32, #tpu.memory_space<hbm>>, %arg4: memref<16x4096xi32, #tpu.memory_space<hbm>>, %arg5: memref<92416xf32, #tpu.memory_space<hbm>>, %arg6: memref<16x1048576xf32, #tpu.memory_space<hbm>>, %arg7: memref<92416xf32, #tpu.memory_space<vmem>>, %arg8: memref<4096xi32, #tpu.memory_space<vmem>>, %arg9: memref<4096xi32, #tpu.memory_space<vmem>>, %arg10: memref<8192xf32, #tpu.memory_space<vmem>>, %arg11: memref<8192xf32, #tpu.memory_space<vmem>>) attributes {dimension_semantics = [#tpu.dimension_semantics<core_parallel>, #tpu.dimension_semantics<subcore_parallel>], iteration_bounds = array<i64: 2, 16>, scalar_prefetch = 0 : i64, scratch_operands = 5 : i64, tpu.core_type = #tpu.core_type<sc_vector_subcore>, window_params = [{transform_indices = #map}, {transform_indices = #map}, {transform_indices = #map}, {transform_indices = #map1}, {transform_indices = #map}]} {
    %mul3A = arith.constant 2 : i32
    %mul3A_0 = arith.muli %arg1, %mul3A : i32
    %add3A = arith.addi %mul3A_0, %arg0 : i32
    %jit3A = arith.constant 2 : i32
    %div3A = arith.divsi %add3A, %jit3A : i32
    %sign3A = arith.constant 0 : i32
    %sign3A_1 = arith.cmpi sgt, %add3A, %sign3A : i32
    %sign3A_2 = arith.extui %sign3A_1 : i1 to i32
    %sign3A_3 = arith.constant 0 : i32
    %sign3A_4 = arith.cmpi slt, %add3A, %sign3A_3 : i32
    %sign3A_5 = arith.extui %sign3A_4 : i1 to i32
    %sign3A_6 = arith.subi %sign3A_2, %sign3A_5 : i32
    %sign3A_7 = arith.constant 0 : i32
    %sign3A_8 = arith.cmpi sgt, %jit3A, %sign3A_7 : i32
    %sign3A_9 = arith.extui %sign3A_8 : i1 to i32
    %sign3A_10 = arith.constant 0 : i32
    %sign3A_11 = arith.cmpi slt, %jit3A, %sign3A_10 : i32
    %sign3A_12 = arith.extui %sign3A_11 : i1 to i32
    %sign3A_13 = arith.subi %sign3A_9, %sign3A_12 : i32
    %ne3A = arith.cmpi ne, %sign3A_6, %sign3A_13 : i32
    %rem3A = arith.remsi %add3A, %jit3A : i32
    %ne3A_14 = arith.constant 0 : i32
    %ne3A_15 = arith.cmpi ne, %rem3A, %ne3A_14 : i32
    %and3A = arith.andi %ne3A, %ne3A_15 : i1
    %sub3A = arith.constant 1 : i32
    %sub3A_16 = arith.subi %div3A, %sub3A : i32
    %select_n3A = arith.select %and3A, %sub3A_16, %div3A : i32
    %jit3A_17 = arith.constant 2 : i32
    %eq3A = arith.constant 0 : i32
    %eq3A_18 = arith.cmpi eq, %jit3A_17, %eq3A : i32
    %jit3A_19 = arith.constant 1 : i32
    %select_n3A_20 = arith.select %eq3A_18, %jit3A_19, %jit3A_17 : i32
    %rem3A_21 = arith.remsi %add3A, %select_n3A_20 : i32
    %ne3A_22 = arith.constant 0 : i32
    %ne3A_23 = arith.cmpi ne, %rem3A_21, %ne3A_22 : i32
    %lt3A = arith.constant 0 : i32
    %lt3A_24 = arith.cmpi slt, %rem3A_21, %lt3A : i32
    %lt3A_25 = arith.constant 0 : i32
    %lt3A_26 = arith.cmpi slt, %select_n3A_20, %lt3A_25 : i32
    %ne3A_27 = arith.xori %lt3A_24, %lt3A_26 : i1
    %and3A_28 = arith.andi %ne3A_27, %ne3A_23 : i1
    %add3A_29 = arith.addi %rem3A_21, %select_n3A_20 : i32
    %select_n3A_30 = arith.select %and3A_28, %add3A_29, %rem3A_21 : i32
    "tpu.region"() ({
      %run_scoped3A = tpu.sem_alloc : memref<!tpu.dma_semaphore, #tpu.memory_space<semaphore_mem>>
      tpu.enqueue_dma source(%arg5 : memref<92416xf32, #tpu.memory_space<hbm>>) target(%arg7 : memref<92416xf32, #tpu.memory_space<vmem>>) target_semaphore(%run_scoped3A : memref<!tpu.dma_semaphore, #tpu.memory_space<semaphore_mem>>)
      tpu.wait_dma2 semaphore(%run_scoped3A : memref<!tpu.dma_semaphore, #tpu.memory_space<semaphore_mem>>) src(%arg5 : memref<92416xf32, #tpu.memory_space<hbm>>) dst(%arg7 : memref<92416xf32, #tpu.memory_space<vmem>>)
      tpu.yield
    }) : () -> ()
    "tpu.region"() ({
      %run_scoped3A = tpu.sem_alloc : memref<!tpu.dma_semaphore, #tpu.memory_space<semaphore_mem>>
      %dma_start3A = arith.constant 0 : i32
      %dma_start3A_40 = tpu.memref_slice %arg3[%select_n3A, %dma_start3A] : memref<16x4096xi32, #tpu.memory_space<hbm>> -> memref<1x4096xi32, #tpu.memory_space<hbm>>
      %dma_start3A_41 = tpu.memref_squeeze %dma_start3A_40 : memref<1x4096xi32, #tpu.memory_space<hbm>> -> memref<4096xi32, #tpu.memory_space<hbm>>
      %dma_start3A_42 = arith.constant 0 : i32
      %dma_start3A_43 = tpu.memref_slice %arg3[%select_n3A, %dma_start3A_42] : memref<16x4096xi32, #tpu.memory_space<hbm>> -> memref<1x4096xi32, #tpu.memory_space<hbm>>
      %dma_start3A_44 = tpu.memref_squeeze %dma_start3A_43 : memref<1x4096xi32, #tpu.memory_space<hbm>> -> memref<4096xi32, #tpu.memory_space<hbm>>
      tpu.enqueue_dma source(%dma_start3A_44 : memref<4096xi32, #tpu.memory_space<hbm>>) target(%arg8 : memref<4096xi32, #tpu.memory_space<vmem>>) target_semaphore(%run_scoped3A : memref<!tpu.dma_semaphore, #tpu.memory_space<semaphore_mem>>)
      %dma_wait3A = arith.constant 0 : i32
      %dma_wait3A_45 = tpu.memref_slice %arg3[%select_n3A, %dma_wait3A] : memref<16x4096xi32, #tpu.memory_space<hbm>> -> memref<1x4096xi32, #tpu.memory_space<hbm>>
      %dma_wait3A_46 = tpu.memref_squeeze %dma_wait3A_45 : memref<1x4096xi32, #tpu.memory_space<hbm>> -> memref<4096xi32, #tpu.memory_space<hbm>>
      %dma_wait3A_47 = arith.constant 0 : i32
      %dma_wait3A_48 = tpu.memref_slice %arg3[%select_n3A, %dma_wait3A_47] : memref<16x4096xi32, #tpu.memory_space<hbm>> -> memref<1x4096xi32, #tpu.memory_space<hbm>>
      %dma_wait3A_49 = tpu.memref_squeeze %dma_wait3A_48 : memref<1x4096xi32, #tpu.memory_space<hbm>> -> memref<4096xi32, #tpu.memory_space<hbm>>
      tpu.wait_dma2 semaphore(%run_scoped3A : memref<!tpu.dma_semaphore, #tpu.memory_space<semaphore_mem>>) src(%dma_wait3A_49 : memref<4096xi32, #tpu.memory_space<hbm>>) dst(%arg8 : memref<4096xi32, #tpu.memory_space<vmem>>)
      tpu.yield
    }) : () -> ()
    "tpu.region"() ({
      %run_scoped3A = tpu.sem_alloc : memref<!tpu.dma_semaphore, #tpu.memory_space<semaphore_mem>>
      %dma_start3A = arith.constant 0 : i32
      %dma_start3A_40 = tpu.memref_slice %arg4[%select_n3A, %dma_start3A] : memref<16x4096xi32, #tpu.memory_space<hbm>> -> memref<1x4096xi32, #tpu.memory_space<hbm>>
      %dma_start3A_41 = tpu.memref_squeeze %dma_start3A_40 : memref<1x4096xi32, #tpu.memory_space<hbm>> -> memref<4096xi32, #tpu.memory_space<hbm>>
      %dma_start3A_42 = arith.constant 0 : i32
      %dma_start3A_43 = tpu.memref_slice %arg4[%select_n3A, %dma_start3A_42] : memref<16x4096xi32, #tpu.memory_space<hbm>> -> memref<1x4096xi32, #tpu.memory_space<hbm>>
      %dma_start3A_44 = tpu.memref_squeeze %dma_start3A_43 : memref<1x4096xi32, #tpu.memory_space<hbm>> -> memref<4096xi32, #tpu.memory_space<hbm>>
      tpu.enqueue_dma source(%dma_start3A_44 : memref<4096xi32, #tpu.memory_space<hbm>>) target(%arg9 : memref<4096xi32, #tpu.memory_space<vmem>>) target_semaphore(%run_scoped3A : memref<!tpu.dma_semaphore, #tpu.memory_space<semaphore_mem>>)
      %dma_wait3A = arith.constant 0 : i32
      %dma_wait3A_45 = tpu.memref_slice %arg4[%select_n3A, %dma_wait3A] : memref<16x4096xi32, #tpu.memory_space<hbm>> -> memref<1x4096xi32, #tpu.memory_space<hbm>>
      %dma_wait3A_46 = tpu.memref_squeeze %dma_wait3A_45 : memref<1x4096xi32, #tpu.memory_space<hbm>> -> memref<4096xi32, #tpu.memory_space<hbm>>
      %dma_wait3A_47 = arith.constant 0 : i32
      %dma_wait3A_48 = tpu.memref_slice %arg4[%select_n3A, %dma_wait3A_47] : memref<16x4096xi32, #tpu.memory_space<hbm>> -> memref<1x4096xi32, #tpu.memory_space<hbm>>
      %dma_wait3A_49 = tpu.memref_squeeze %dma_wait3A_48 : memref<1x4096xi32, #tpu.memory_space<hbm>> -> memref<4096xi32, #tpu.memory_space<hbm>>
      tpu.wait_dma2 semaphore(%run_scoped3A : memref<!tpu.dma_semaphore, #tpu.memory_space<semaphore_mem>>) src(%dma_wait3A_49 : memref<4096xi32, #tpu.memory_space<hbm>>) dst(%arg9 : memref<4096xi32, #tpu.memory_space<vmem>>)
      tpu.yield
    }) : () -> ()
    %iota3A = tpu.iota {dimensions = array<i32: 0>} : vector<16xi32>
    %broadcast_in_dim3A = arith.constant 87552 : i32
    %broadcast_in_dim3A_31 = vector.broadcast %broadcast_in_dim3A : i32 to vector<16xi32>
    %broadcast_in_dim3A_32 = arith.constant 288 : i32
    %broadcast_in_dim3A_33 = vector.broadcast %broadcast_in_dim3A_32 : i32 to vector<16xi32>
    %scan3A = arith.constant 0 : i32
    %scan3A_34 = arith.constant 0 : i32
    %scan3A_35 = arith.constant 64 : i32
    %scan3A_36 = arith.addi %scan3A_34, %scan3A_35 : i32
    %scan3A_37 = arith.constant 1 : i32
    %scan3A_38 = scf.for %scan3A_40 = %scan3A_34 to %scan3A_36 step %scan3A_37 iter_args(%scan3A_41 = %scan3A) -> (i32)  : i32 {
      %mul3A_42 = arith.constant 512 : i32
      %mul3A_43 = arith.muli %select_n3A_30, %mul3A_42 : i32
      %mul3A_44 = arith.constant 8 : i32
      %mul3A_45 = arith.muli %scan3A_40, %mul3A_44 : i32
      %add3A_46 = arith.addi %mul3A_43, %mul3A_45 : i32
      %mul3A_47 = arith.constant 1024 : i32
      %mul3A_48 = arith.muli %add3A_46, %mul3A_47 : i32
      "tpu.region"() ({
        %run_scoped3A = tpu.sem_alloc : memref<!tpu.dma_semaphore, #tpu.memory_space<semaphore_mem>>
        %dma_start3A = tpu.memref_slice %arg2[%select_n3A, %mul3A_48] : memref<16x1048576xf32, #tpu.memory_space<hbm>> -> memref<1x8192xf32, #tpu.memory_space<hbm>>
        %dma_start3A_59 = tpu.memref_squeeze %dma_start3A : memref<1x8192xf32, #tpu.memory_space<hbm>> -> memref<8192xf32, #tpu.memory_space<hbm>>
        %dma_start3A_60 = tpu.memref_slice %arg2[%select_n3A, %mul3A_48] : memref<16x1048576xf32, #tpu.memory_space<hbm>> -> memref<1x8192xf32, #tpu.memory_space<hbm>>
        %dma_start3A_61 = tpu.memref_squeeze %dma_start3A_60 : memref<1x8192xf32, #tpu.memory_space<hbm>> -> memref<8192xf32, #tpu.memory_space<hbm>>
        tpu.enqueue_dma source(%dma_start3A_61 : memref<8192xf32, #tpu.memory_space<hbm>>) target(%arg10 : memref<8192xf32, #tpu.memory_space<vmem>>) target_semaphore(%run_scoped3A : memref<!tpu.dma_semaphore, #tpu.memory_space<semaphore_mem>>)
        %dma_wait3A = tpu.memref_slice %arg2[%select_n3A, %mul3A_48] : memref<16x1048576xf32, #tpu.memory_space<hbm>> -> memref<1x8192xf32, #tpu.memory_space<hbm>>
        %dma_wait3A_62 = tpu.memref_squeeze %dma_wait3A : memref<1x8192xf32, #tpu.memory_space<hbm>> -> memref<8192xf32, #tpu.memory_space<hbm>>
        %dma_wait3A_63 = tpu.memref_slice %arg2[%select_n3A, %mul3A_48] : memref<16x1048576xf32, #tpu.memory_space<hbm>> -> memref<1x8192xf32, #tpu.memory_space<hbm>>
        %dma_wait3A_64 = tpu.memref_squeeze %dma_wait3A_63 : memref<1x8192xf32, #tpu.memory_space<hbm>> -> memref<8192xf32, #tpu.memory_space<hbm>>
        tpu.wait_dma2 semaphore(%run_scoped3A : memref<!tpu.dma_semaphore, #tpu.memory_space<semaphore_mem>>) src(%dma_wait3A_64 : memref<8192xf32, #tpu.memory_space<hbm>>) dst(%arg10 : memref<8192xf32, #tpu.memory_space<vmem>>)
        tpu.yield
      }) : () -> ()
      %scan3A_49 = arith.constant 0 : i32
      %scan3A_50 = arith.constant 0 : i32
      %scan3A_51 = arith.constant 8 : i32
      %scan3A_52 = arith.addi %scan3A_50, %scan3A_51 : i32
      %scan3A_53 = arith.constant 1 : i32
      %scan3A_54 = scf.for %scan3A_59 = %scan3A_50 to %scan3A_52 step %scan3A_53 iter_args(%scan3A_60 = %scan3A_49) -> (i32)  : i32 {
        %add3A_61 = arith.addi %add3A_46, %scan3A_59 : i32
        %broadcast_in_dim3A_62 = vector.broadcast %add3A_61 : i32 to vector<16xi32>
        %gather3A = tpu.vector_load_idx %arg8[%broadcast_in_dim3A_62] : memref<4096xi32, #tpu.memory_space<vmem>>[vector<16xi32>], vector<16xi32>,
        %add3A_63 = arith.constant 1024 : i32
        %add3A_64 = arith.addi %add3A_63, %add3A_61 : i32
        %broadcast_in_dim3A_65 = vector.broadcast %add3A_64 : i32 to vector<16xi32>
        %gather3A_66 = tpu.vector_load_idx %arg8[%broadcast_in_dim3A_65] : memref<4096xi32, #tpu.memory_space<vmem>>[vector<16xi32>], vector<16xi32>,
        %add3A_67 = arith.constant 2048 : i32
        %add3A_68 = arith.addi %add3A_67, %add3A_61 : i32
        %broadcast_in_dim3A_69 = vector.broadcast %add3A_68 : i32 to vector<16xi32>
        %gather3A_70 = tpu.vector_load_idx %arg8[%broadcast_in_dim3A_69] : memref<4096xi32, #tpu.memory_space<vmem>>[vector<16xi32>], vector<16xi32>,
        %add3A_71 = arith.constant 3072 : i32
        %add3A_72 = arith.addi %add3A_71, %add3A_61 : i32
        %broadcast_in_dim3A_73 = vector.broadcast %add3A_72 : i32 to vector<16xi32>
        %gather3A_74 = tpu.vector_load_idx %arg8[%broadcast_in_dim3A_73] : memref<4096xi32, #tpu.memory_space<vmem>>[vector<16xi32>], vector<16xi32>,
        %scan3A_75 = arith.constant 0 : i32
        %scan3A_76 = arith.constant 0 : i32
        %scan3A_77 = arith.constant 16 : i32
        %scan3A_78 = arith.addi %scan3A_76, %scan3A_77 : i32
        %scan3A_79 = arith.constant 1 : i32
        %scan3A_80 = scf.for %scan3A_83 = %scan3A_76 to %scan3A_78 step %scan3A_79 iter_args(%scan3A_84 = %scan3A_75) -> (i32)  : i32 {
          %mul3A_85 = arith.constant 64 : i32
          %mul3A_86 = arith.muli %scan3A_83, %mul3A_85 : i32
          %add3A_87 = arith.constant 0 : i32
          %add3A_88 = arith.addi %mul3A_86, %add3A_87 : i32
          %sub3A_89 = arith.subi %add3A_88, %add3A_61 : i32
          %add3A_90 = vector.broadcast %sub3A_89 : i32 to vector<16xi32>
          %add3A_91 = arith.addi %iota3A, %add3A_90 : vector<16xi32>
          %gt3A = arith.constant 3 : i32
          %gt3A_92 = vector.broadcast %gt3A : i32 to vector<16xi32>
          %gt3A_93 = arith.cmpi sgt, %add3A_91, %gt3A_92 : vector<16xi32>
          %get3A = arith.index_cast %add3A_88 : i32 to index
          %get3A_94 = tpu.vector_load %arg9[%get3A] {strides = array<i32>} : memref<4096xi32, #tpu.memory_space<vmem>>, vector<16xi32>,
          %add3A_95 = arith.addi %gather3A, %get3A_94 : vector<16xi32>
          %select_n3A_96 = arith.select %gt3A_93, %add3A_95, %broadcast_in_dim3A_31 : vector<16xi1>, vector<16xi32>
          %gt3A_97 = arith.constant 1 : i32
          %gt3A_98 = vector.broadcast %gt3A_97 : i32 to vector<16xi32>
          %gt3A_99 = arith.cmpi sgt, %add3A_91, %gt3A_98 : vector<16xi32>
          %add3A_100 = arith.constant 2048 : i32
          %add3A_101 = arith.addi %add3A_100, %add3A_88 : i32
          %get3A_102 = arith.index_cast %add3A_101 : i32 to index
          %get3A_103 = tpu.vector_load %arg9[%get3A_102] {strides = array<i32>} : memref<4096xi32, #tpu.memory_space<vmem>>, vector<16xi32>,
          %add3A_104 = arith.addi %gather3A_70, %get3A_103 : vector<16xi32>
          %select_n3A_105 = arith.select %gt3A_99, %add3A_104, %broadcast_in_dim3A_33 : vector<16xi1>, vector<16xi32>
          %lt3A_106 = arith.constant -3 : i32
          %lt3A_107 = vector.broadcast %lt3A_106 : i32 to vector<16xi32>
          %lt3A_108 = arith.cmpi slt, %add3A_91, %lt3A_107 : vector<16xi32>
          %add3A_109 = arith.constant 1024 : i32
          %add3A_110 = arith.addi %add3A_109, %add3A_88 : i32
          %get3A_111 = arith.index_cast %add3A_110 : i32 to index
          %get3A_112 = tpu.vector_load %arg9[%get3A_111] {strides = array<i32>} : memref<4096xi32, #tpu.memory_space<vmem>>, vector<16xi32>,
          %add3A_113 = arith.addi %gather3A_66, %get3A_112 : vector<16xi32>
          %select_n3A_114 = arith.select %lt3A_108, %add3A_113, %broadcast_in_dim3A_31 : vector<16xi1>, vector<16xi32>
          %lt3A_115 = arith.constant -1 : i32
          %lt3A_116 = vector.broadcast %lt3A_115 : i32 to vector<16xi32>
          %lt3A_117 = arith.cmpi slt, %add3A_91, %lt3A_116 : vector<16xi32>
          %add3A_118 = arith.constant 3072 : i32
          %add3A_119 = arith.addi %add3A_118, %add3A_88 : i32
          %get3A_120 = arith.index_cast %add3A_119 : i32 to index
          %get3A_121 = tpu.vector_load %arg9[%get3A_120] {strides = array<i32>} : memref<4096xi32, #tpu.memory_space<vmem>>, vector<16xi32>,
          %add3A_122 = arith.addi %gather3A_74, %get3A_121 : vector<16xi32>
          %select_n3A_123 = arith.select %lt3A_117, %add3A_122, %broadcast_in_dim3A_33 : vector<16xi1>, vector<16xi32>
          %add3A_124 = arith.addi %select_n3A_96, %select_n3A_105 : vector<16xi32>
          %gather3A_125 = tpu.vector_load_idx %arg7[%add3A_124] : memref<92416xf32, #tpu.memory_space<vmem>>[vector<16xi32>], vector<16xf32>,
          %add3A_126 = arith.addi %select_n3A_114, %select_n3A_123 : vector<16xi32>
          %gather3A_127 = tpu.vector_load_idx %arg7[%add3A_126] : memref<92416xf32, #tpu.memory_space<vmem>>[vector<16xi32>], vector<16xf32>,
          %mul3A_128 = arith.constant 1024 : i32
          %mul3A_129 = arith.muli %scan3A_59, %mul3A_128 : i32
          %add3A_130 = arith.addi %mul3A_129, %add3A_88 : i32
          %get3A_131 = arith.index_cast %add3A_130 : i32 to index
          %get3A_132 = tpu.vector_load %arg10[%get3A_131] {strides = array<i32>} : memref<8192xf32, #tpu.memory_space<vmem>>, vector<16xf32>,
          %add3A_133 = arith.addf %get3A_132, %gather3A_125 : vector<16xf32>
          %add3A_134 = arith.addf %add3A_133, %gather3A_127 : vector<16xf32>
          %swap3A = arith.index_cast %add3A_130 : i32 to index
          %swap3A_135 = tpu.vector_load %arg11[%swap3A] {strides = array<i32>} : memref<8192xf32, #tpu.memory_space<vmem>>, vector<16xf32>,
          tpu.vector_store %arg11[%swap3A], %add3A_134 {strides = array<i32>} : memref<8192xf32, #tpu.memory_space<vmem>>, vector<16xf32>,
          %mul3A_136 = arith.constant 64 : i32
          %mul3A_137 = arith.muli %scan3A_83, %mul3A_136 : i32
          %add3A_138 = arith.constant 16 : i32
          %add3A_139 = arith.addi %mul3A_137, %add3A_138 : i32
          %sub3A_140 = arith.subi %add3A_139, %add3A_61 : i32
          %add3A_141 = vector.broadcast %sub3A_140 : i32 to vector<16xi32>
          %add3A_142 = arith.addi %iota3A, %add3A_141 : vector<16xi32>
          %gt3A_143 = arith.constant 3 : i32
          %gt3A_144 = vector.broadcast %gt3A_143 : i32 to vector<16xi32>
          %gt3A_145 = arith.cmpi sgt, %add3A_142, %gt3A_144 : vector<16xi32>
          %get3A_146 = arith.index_cast %add3A_139 : i32 to index
          %get3A_147 = tpu.vector_load %arg9[%get3A_146] {strides = array<i32>} : memref<4096xi32, #tpu.memory_space<vmem>>, vector<16xi32>,
          %add3A_148 = arith.addi %gather3A, %get3A_147 : vector<16xi32>
          %select_n3A_149 = arith.select %gt3A_145, %add3A_148, %broadcast_in_dim3A_31 : vector<16xi1>, vector<16xi32>
          %gt3A_150 = arith.constant 1 : i32
          %gt3A_151 = vector.broadcast %gt3A_150 : i32 to vector<16xi32>
          %gt3A_152 = arith.cmpi sgt, %add3A_142, %gt3A_151 : vector<16xi32>
          %add3A_153 = arith.constant 2048 : i32
          %add3A_154 = arith.addi %add3A_153, %add3A_139 : i32
          %get3A_155 = arith.index_cast %add3A_154 : i32 to index
          %get3A_156 = tpu.vector_load %arg9[%get3A_155] {strides = array<i32>} : memref<4096xi32, #tpu.memory_space<vmem>>, vector<16xi32>,
          %add3A_157 = arith.addi %gather3A_70, %get3A_156 : vector<16xi32>
          %select_n3A_158 = arith.select %gt3A_152, %add3A_157, %broadcast_in_dim3A_33 : vector<16xi1>, vector<16xi32>
          %lt3A_159 = arith.constant -3 : i32
          %lt3A_160 = vector.broadcast %lt3A_159 : i32 to vector<16xi32>
          %lt3A_161 = arith.cmpi slt, %add3A_142, %lt3A_160 : vector<16xi32>
          %add3A_162 = arith.constant 1024 : i32
          %add3A_163 = arith.addi %add3A_162, %add3A_139 : i32
          %get3A_164 = arith.index_cast %add3A_163 : i32 to index
          %get3A_165 = tpu.vector_load %arg9[%get3A_164] {strides = array<i32>} : memref<4096xi32, #tpu.memory_space<vmem>>, vector<16xi32>,
          %add3A_166 = arith.addi %gather3A_66, %get3A_165 : vector<16xi32>
          %select_n3A_167 = arith.select %lt3A_161, %add3A_166, %broadcast_in_dim3A_31 : vector<16xi1>, vector<16xi32>
          %lt3A_168 = arith.constant -1 : i32
          %lt3A_169 = vector.broadcast %lt3A_168 : i32 to vector<16xi32>
          %lt3A_170 = arith.cmpi slt, %add3A_142, %lt3A_169 : vector<16xi32>
          %add3A_171 = arith.constant 3072 : i32
          %add3A_172 = arith.addi %add3A_171, %add3A_139 : i32
          %get3A_173 = arith.index_cast %add3A_172 : i32 to index
          %get3A_174 = tpu.vector_load %arg9[%get3A_173] {strides = array<i32>} : memref<4096xi32, #tpu.memory_space<vmem>>, vector<16xi32>,
          %add3A_175 = arith.addi %gather3A_74, %get3A_174 : vector<16xi32>
          %select_n3A_176 = arith.select %lt3A_170, %add3A_175, %broadcast_in_dim3A_33 : vector<16xi1>, vector<16xi32>
          %add3A_177 = arith.addi %select_n3A_149, %select_n3A_158 : vector<16xi32>
          %gather3A_178 = tpu.vector_load_idx %arg7[%add3A_177] : memref<92416xf32, #tpu.memory_space<vmem>>[vector<16xi32>], vector<16xf32>,
          %add3A_179 = arith.addi %select_n3A_167, %select_n3A_176 : vector<16xi32>
          %gather3A_180 = tpu.vector_load_idx %arg7[%add3A_179] : memref<92416xf32, #tpu.memory_space<vmem>>[vector<16xi32>], vector<16xf32>,
          %mul3A_181 = arith.constant 1024 : i32
          %mul3A_182 = arith.muli %scan3A_59, %mul3A_181 : i32
          %add3A_183 = arith.addi %mul3A_182, %add3A_139 : i32
          %get3A_184 = arith.index_cast %add3A_183 : i32 to index
          %get3A_185 = tpu.vector_load %arg10[%get3A_184] {strides = array<i32>} : memref<8192xf32, #tpu.memory_space<vmem>>, vector<16xf32>,
          %add3A_186 = arith.addf %get3A_185, %gather3A_178 : vector<16xf32>
          %add3A_187 = arith.addf %add3A_186, %gather3A_180 : vector<16xf32>
          %swap3A_188 = arith.index_cast %add3A_183 : i32 to index
          %swap3A_189 = tpu.vector_load %arg11[%swap3A_188] {strides = array<i32>} : memref<8192xf32, #tpu.memory_space<vmem>>, vector<16xf32>,
          tpu.vector_store %arg11[%swap3A_188], %add3A_187 {strides = array<i32>} : memref<8192xf32, #tpu.memory_space<vmem>>, vector<16xf32>,
          %mul3A_190 = arith.constant 64 : i32
          %mul3A_191 = arith.muli %scan3A_83, %mul3A_190 : i32
          %add3A_192 = arith.constant 32 : i32
          %add3A_193 = arith.addi %mul3A_191, %add3A_192 : i32
          %sub3A_194 = arith.subi %add3A_193, %add3A_61 : i32
          %add3A_195 = vector.broadcast %sub3A_194 : i32 to vector<16xi32>
          %add3A_196 = arith.addi %iota3A, %add3A_195 : vector<16xi32>
          %gt3A_197 = arith.constant 3 : i32
          %gt3A_198 = vector.broadcast %gt3A_197 : i32 to vector<16xi32>
          %gt3A_199 = arith.cmpi sgt, %add3A_196, %gt3A_198 : vector<16xi32>
          %get3A_200 = arith.index_cast %add3A_193 : i32 to index
          %get3A_201 = tpu.vector_load %arg9[%get3A_200] {strides = array<i32>} : memref<4096xi32, #tpu.memory_space<vmem>>, vector<16xi32>,
          %add3A_202 = arith.addi %gather3A, %get3A_201 : vector<16xi32>
          %select_n3A_203 = arith.select %gt3A_199, %add3A_202, %broadcast_in_dim3A_31 : vector<16xi1>, vector<16xi32>
          %gt3A_204 = arith.constant 1 : i32
          %gt3A_205 = vector.broadcast %gt3A_204 : i32 to vector<16xi32>
          %gt3A_206 = arith.cmpi sgt, %add3A_196, %gt3A_205 : vector<16xi32>
          %add3A_207 = arith.constant 2048 : i32
          %add3A_208 = arith.addi %add3A_207, %add3A_193 : i32
          %get3A_209 = arith.index_cast %add3A_208 : i32 to index
          %get3A_210 = tpu.vector_load %arg9[%get3A_209] {strides = array<i32>} : memref<4096xi32, #tpu.memory_space<vmem>>, vector<16xi32>,
          %add3A_211 = arith.addi %gather3A_70, %get3A_210 : vector<16xi32>
          %select_n3A_212 = arith.select %gt3A_206, %add3A_211, %broadcast_in_dim3A_33 : vector<16xi1>, vector<16xi32>
          %lt3A_213 = arith.constant -3 : i32
          %lt3A_214 = vector.broadcast %lt3A_213 : i32 to vector<16xi32>
          %lt3A_215 = arith.cmpi slt, %add3A_196, %lt3A_214 : vector<16xi32>
          %add3A_216 = arith.constant 1024 : i32
          %add3A_217 = arith.addi %add3A_216, %add3A_193 : i32
          %get3A_218 = arith.index_cast %add3A_217 : i32 to index
          %get3A_219 = tpu.vector_load %arg9[%get3A_218] {strides = array<i32>} : memref<4096xi32, #tpu.memory_space<vmem>>, vector<16xi32>,
          %add3A_220 = arith.addi %gather3A_66, %get3A_219 : vector<16xi32>
          %select_n3A_221 = arith.select %lt3A_215, %add3A_220, %broadcast_in_dim3A_31 : vector<16xi1>, vector<16xi32>
          %lt3A_222 = arith.constant -1 : i32
          %lt3A_223 = vector.broadcast %lt3A_222 : i32 to vector<16xi32>
          %lt3A_224 = arith.cmpi slt, %add3A_196, %lt3A_223 : vector<16xi32>
          %add3A_225 = arith.constant 3072 : i32
          %add3A_226 = arith.addi %add3A_225, %add3A_193 : i32
          %get3A_227 = arith.index_cast %add3A_226 : i32 to index
          %get3A_228 = tpu.vector_load %arg9[%get3A_227] {strides = array<i32>} : memref<4096xi32, #tpu.memory_space<vmem>>, vector<16xi32>,
          %add3A_229 = arith.addi %gather3A_74, %get3A_228 : vector<16xi32>
          %select_n3A_230 = arith.select %lt3A_224, %add3A_229, %broadcast_in_dim3A_33 : vector<16xi1>, vector<16xi32>
          %add3A_231 = arith.addi %select_n3A_203, %select_n3A_212 : vector<16xi32>
          %gather3A_232 = tpu.vector_load_idx %arg7[%add3A_231] : memref<92416xf32, #tpu.memory_space<vmem>>[vector<16xi32>], vector<16xf32>,
          %add3A_233 = arith.addi %select_n3A_221, %select_n3A_230 : vector<16xi32>
          %gather3A_234 = tpu.vector_load_idx %arg7[%add3A_233] : memref<92416xf32, #tpu.memory_space<vmem>>[vector<16xi32>], vector<16xf32>,
          %mul3A_235 = arith.constant 1024 : i32
          %mul3A_236 = arith.muli %scan3A_59, %mul3A_235 : i32
          %add3A_237 = arith.addi %mul3A_236, %add3A_193 : i32
          %get3A_238 = arith.index_cast %add3A_237 : i32 to index
          %get3A_239 = tpu.vector_load %arg10[%get3A_238] {strides = array<i32>} : memref<8192xf32, #tpu.memory_space<vmem>>, vector<16xf32>,
          %add3A_240 = arith.addf %get3A_239, %gather3A_232 : vector<16xf32>
          %add3A_241 = arith.addf %add3A_240, %gather3A_234 : vector<16xf32>
          %swap3A_242 = arith.index_cast %add3A_237 : i32 to index
          %swap3A_243 = tpu.vector_load %arg11[%swap3A_242] {strides = array<i32>} : memref<8192xf32, #tpu.memory_space<vmem>>, vector<16xf32>,
          tpu.vector_store %arg11[%swap3A_242], %add3A_241 {strides = array<i32>} : memref<8192xf32, #tpu.memory_space<vmem>>, vector<16xf32>,
          %mul3A_244 = arith.constant 64 : i32
          %mul3A_245 = arith.muli %scan3A_83, %mul3A_244 : i32
          %add3A_246 = arith.constant 48 : i32
          %add3A_247 = arith.addi %mul3A_245, %add3A_246 : i32
          %sub3A_248 = arith.subi %add3A_247, %add3A_61 : i32
          %add3A_249 = vector.broadcast %sub3A_248 : i32 to vector<16xi32>
          %add3A_250 = arith.addi %iota3A, %add3A_249 : vector<16xi32>
          %gt3A_251 = arith.constant 3 : i32
          %gt3A_252 = vector.broadcast %gt3A_251 : i32 to vector<16xi32>
          %gt3A_253 = arith.cmpi sgt, %add3A_250, %gt3A_252 : vector<16xi32>
          %get3A_254 = arith.index_cast %add3A_247 : i32 to index
          %get3A_255 = tpu.vector_load %arg9[%get3A_254] {strides = array<i32>} : memref<4096xi32, #tpu.memory_space<vmem>>, vector<16xi32>,
          %add3A_256 = arith.addi %gather3A, %get3A_255 : vector<16xi32>
          %select_n3A_257 = arith.select %gt3A_253, %add3A_256, %broadcast_in_dim3A_31 : vector<16xi1>, vector<16xi32>
          %gt3A_258 = arith.constant 1 : i32
          %gt3A_259 = vector.broadcast %gt3A_258 : i32 to vector<16xi32>
          %gt3A_260 = arith.cmpi sgt, %add3A_250, %gt3A_259 : vector<16xi32>
          %add3A_261 = arith.constant 2048 : i32
          %add3A_262 = arith.addi %add3A_261, %add3A_247 : i32
          %get3A_263 = arith.index_cast %add3A_262 : i32 to index
          %get3A_264 = tpu.vector_load %arg9[%get3A_263] {strides = array<i32>} : memref<4096xi32, #tpu.memory_space<vmem>>, vector<16xi32>,
          %add3A_265 = arith.addi %gather3A_70, %get3A_264 : vector<16xi32>
          %select_n3A_266 = arith.select %gt3A_260, %add3A_265, %broadcast_in_dim3A_33 : vector<16xi1>, vector<16xi32>
          %lt3A_267 = arith.constant -3 : i32
          %lt3A_268 = vector.broadcast %lt3A_267 : i32 to vector<16xi32>
          %lt3A_269 = arith.cmpi slt, %add3A_250, %lt3A_268 : vector<16xi32>
          %add3A_270 = arith.constant 1024 : i32
          %add3A_271 = arith.addi %add3A_270, %add3A_247 : i32
          %get3A_272 = arith.index_cast %add3A_271 : i32 to index
          %get3A_273 = tpu.vector_load %arg9[%get3A_272] {strides = array<i32>} : memref<4096xi32, #tpu.memory_space<vmem>>, vector<16xi32>,
          %add3A_274 = arith.addi %gather3A_66, %get3A_273 : vector<16xi32>
          %select_n3A_275 = arith.select %lt3A_269, %add3A_274, %broadcast_in_dim3A_31 : vector<16xi1>, vector<16xi32>
          %lt3A_276 = arith.constant -1 : i32
          %lt3A_277 = vector.broadcast %lt3A_276 : i32 to vector<16xi32>
          %lt3A_278 = arith.cmpi slt, %add3A_250, %lt3A_277 : vector<16xi32>
          %add3A_279 = arith.constant 3072 : i32
          %add3A_280 = arith.addi %add3A_279, %add3A_247 : i32
          %get3A_281 = arith.index_cast %add3A_280 : i32 to index
          %get3A_282 = tpu.vector_load %arg9[%get3A_281] {strides = array<i32>} : memref<4096xi32, #tpu.memory_space<vmem>>, vector<16xi32>,
          %add3A_283 = arith.addi %gather3A_74, %get3A_282 : vector<16xi32>
          %select_n3A_284 = arith.select %lt3A_278, %add3A_283, %broadcast_in_dim3A_33 : vector<16xi1>, vector<16xi32>
          %add3A_285 = arith.addi %select_n3A_257, %select_n3A_266 : vector<16xi32>
          %gather3A_286 = tpu.vector_load_idx %arg7[%add3A_285] : memref<92416xf32, #tpu.memory_space<vmem>>[vector<16xi32>], vector<16xf32>,
          %add3A_287 = arith.addi %select_n3A_275, %select_n3A_284 : vector<16xi32>
          %gather3A_288 = tpu.vector_load_idx %arg7[%add3A_287] : memref<92416xf32, #tpu.memory_space<vmem>>[vector<16xi32>], vector<16xf32>,
          %mul3A_289 = arith.constant 1024 : i32
          %mul3A_290 = arith.muli %scan3A_59, %mul3A_289 : i32
          %add3A_291 = arith.addi %mul3A_290, %add3A_247 : i32
          %get3A_292 = arith.index_cast %add3A_291 : i32 to index
          %get3A_293 = tpu.vector_load %arg10[%get3A_292] {strides = array<i32>} : memref<8192xf32, #tpu.memory_space<vmem>>, vector<16xf32>,
          %add3A_294 = arith.addf %get3A_293, %gather3A_286 : vector<16xf32>
          %add3A_295 = arith.addf %add3A_294, %gather3A_288 : vector<16xf32>
          %swap3A_296 = arith.index_cast %add3A_291 : i32 to index
          %swap3A_297 = tpu.vector_load %arg11[%swap3A_296] {strides = array<i32>} : memref<8192xf32, #tpu.memory_space<vmem>>, vector<16xf32>,
          tpu.vector_store %arg11[%swap3A_296], %add3A_295 {strides = array<i32>} : memref<8192xf32, #tpu.memory_space<vmem>>, vector<16xf32>,
          %scan3A_298 = arith.constant 0 : i32
          scf.yield %scan3A_298 : i32
        }
        %scan3A_81 = arith.constant 16 : i32
        %scan3A_82 = arith.constant 0 : i32
        scf.yield %scan3A_82 : i32
      }
      %scan3A_55 = arith.constant 8 : i32
      %mul3A_56 = arith.constant 1024 : i32
      %mul3A_57 = arith.muli %add3A_46, %mul3A_56 : i32
      "tpu.region"() ({
        %run_scoped3A = tpu.sem_alloc : memref<!tpu.dma_semaphore, #tpu.memory_space<semaphore_mem>>
        %dma_start3A = tpu.memref_slice %arg6[%select_n3A, %mul3A_57] : memref<16x1048576xf32, #tpu.memory_space<hbm>> -> memref<1x8192xf32, #tpu.memory_space<hbm>>
        %dma_start3A_59 = tpu.memref_squeeze %dma_start3A : memref<1x8192xf32, #tpu.memory_space<hbm>> -> memref<8192xf32, #tpu.memory_space<hbm>>
        %dma_start3A_60 = tpu.memref_slice %arg6[%select_n3A, %mul3A_57] : memref<16x1048576xf32, #tpu.memory_space<hbm>> -> memref<1x8192xf32, #tpu.memory_space<hbm>>
        %dma_start3A_61 = tpu.memref_squeeze %dma_start3A_60 : memref<1x8192xf32, #tpu.memory_space<hbm>> -> memref<8192xf32, #tpu.memory_space<hbm>>
        tpu.enqueue_dma source(%arg11 : memref<8192xf32, #tpu.memory_space<vmem>>) target(%dma_start3A_61 : memref<8192xf32, #tpu.memory_space<hbm>>) target_semaphore(%run_scoped3A : memref<!tpu.dma_semaphore, #tpu.memory_space<semaphore_mem>>)
        %dma_wait3A = tpu.memref_slice %arg6[%select_n3A, %mul3A_57] : memref<16x1048576xf32, #tpu.memory_space<hbm>> -> memref<1x8192xf32, #tpu.memory_space<hbm>>
        %dma_wait3A_62 = tpu.memref_squeeze %dma_wait3A : memref<1x8192xf32, #tpu.memory_space<hbm>> -> memref<8192xf32, #tpu.memory_space<hbm>>
        %dma_wait3A_63 = tpu.memref_slice %arg6[%select_n3A, %mul3A_57] : memref<16x1048576xf32, #tpu.memory_space<hbm>> -> memref<1x8192xf32, #tpu.memory_space<hbm>>
        %dma_wait3A_64 = tpu.memref_squeeze %dma_wait3A_63 : memref<1x8192xf32, #tpu.memory_space<hbm>> -> memref<8192xf32, #tpu.memory_space<hbm>>
        tpu.wait_dma2 semaphore(%run_scoped3A : memref<!tpu.dma_semaphore, #tpu.memory_space<semaphore_mem>>) src(%arg11 : memref<8192xf32, #tpu.memory_space<vmem>>) dst(%dma_wait3A_64 : memref<8192xf32, #tpu.memory_space<hbm>>)
        tpu.yield
      }) : () -> ()
      %scan3A_58 = arith.constant 0 : i32
      scf.yield %scan3A_58 : i32
    }
    %scan3A_39 = arith.constant 64 : i32
    return
  }
}

</mosaic_0001>

<sc_bundles>
// kernel: kernel.3.cloned.1.call-start
scs
__scs_entry_jumppad:
0x0: {  	(pc) =	sbr.rel $0x88, $3  }
0x1: {  	(tag) =	ssettag $0x0;
	lr =	simm.s32 $0x1  }
0x2: {  	[smem:$0x3F9E] =	sst lr;
	_ =	strace $0xD0000000  }
0x3: {  	_ = 	snop  }
0x4: {  	_ = 	snop  }
0x5: {  	_ = 	snop  }
0x6: {  	_ = 	snop  }
0x7: {  	_ = 	snop  }
__scs_overlays_trampoline_lowered:
0x8: {  	[smem:$0x3FAD] =	sst s0  }
0x9: {  	[smem:$0x3FAE] =	sst s1  }
0xa: {  	[smem:$0x3FAF] =	sst s2  }
0xb: {  	[smem:$0x3FB0] =	sst s3  }
0xc: {  	[smem:$0x3FB1] =	sst s4  }
0xd: {  	[smem:$0x3FB2] =	sst s5  }
0xe: {  	[smem:$0x3FB3] =	sst s6  }
0xf: {  	[smem:$0x3FB4] =	sst s7  }
0x10: {  	[smem:$0x3FB5] =	sst s8  }
0x11: {  	[smem:$0x3FB6] =	sst s9;
	s0 =	simm.s32 @!p0 $0x0  }
0x12: {  	s1 =	sld [smem:$0x3F9C];
	s0 =	simm.s32 @p0 $0x1  }
0x13: {  	[smem:$0x3FB7] =	sst s0;
	s0 =	simm.s32 @!p1 $0x0  }
0x14: {  	s2 =	sld [smem:$0x3F9B];
	s0 =	simm.s32 @p1 $0x1  }
0x15: {  	[smem:$0x3FB8] =	sst s0;
	s0 =	simm.s32 @!p2 $0x0  }
0x16: {  	s3 =	sld [smem:$0x3FDB];
	s0 =	simm.s32 @p2 $0x1  }
0x17: {  	s4 =	simm.s32 $0x1BF5;
	[smem:$0x3FBA] =	sst s0  }
0x18: {  	s0 =	sld [smem:$0x3F9D];
	_ =	swait.ge [sflag:s4], $0x0  }
0x19: {  	s7 =	sld [smem:$0x3F9E]  }
0x1a: {  	s8 =	sadd.s32 $0xFFFFE003, lr  }
0x1b: {  	s9 =	sadd.s32 $0xFFFFFEF7, lr;
	s5 =	simm.s32 $0xFFFFFFFF;
	p2 =	slt.u32 s8, $0xFFFFF086  }
0x1c: {  	p1 =	slt.u32 s9, $0xF7A;
	s5 =	simm.s32 @!p2 $0x0  }
0x1d: {  	s5 =	simm.s32 @p1 $0x1;
	p0 =	seq.s32 s7, s2  }
0x1e: {  	s7 =	smul.u32 @!p0 $0xF7A, s2;
	p2 =	seq.s32 @!p0 s5, $0x0  }
0x1f: {  	s9 =	smul.u32 $0xF7A, s1;
	s8 =	simm.s32 @!p0 $0x1BF5;
	p2 =	por !p2, p0  }
0x20: {  	[sflag:s8] =	ssyncset.s32 @!p0 $0xFFFFF086;
	s6 =	sadd.s32 @!p0 s3, s7;
	s7 =	simm.s32 @!p0 $0x108  }
0x21: {  	s3 =	sadd.s32 s3, s9;
	s6 =	sadd.s32 @!p0 $0x88, s6;
	s7 =	simm.s32 @p2 $0x1082  }
0x22: {  	[simem:s7], [sflag:s8] =	dma.local @!p0 [hbm:s6], $0xF7A  }
0x23: {  	s9 =	sor.u32 $0xD0000000, s2;
	s6 =	simm.s32 $0x108;
	_ =	swait.ge @!p0 [sflag:s8], $0x0  }
0x24: {  	s3 =	sadd.s32 $0x88, s3;
	s6 =	simm.s32 @!p1 $0x1082;
	[sflag:s4] =	ssyncset.s32 $0xFFFFF086  }
0x25: {  	[simem:s6], [sflag:s4] =	dma.local [hbm:s3], $0xF7A  }
0x26: {  	[smem:$0x3F9E] =	sst s1;
	(tag) =	ssettag s2;
	_ =	strace s9  }
0x27: {  	s1 =	sld [smem:$0x3FAE]  }
0x28: {  	s2 =	sld [smem:$0x3FAF]  }
0x29: {  	s4 =	sld [smem:$0x3FB1]  }
0x2a: {  	p0 =	seq.s32 s5, $0x0;
	s5 =	sld [smem:$0x3FB2]  }
0x2b: {  	s6 =	sld [smem:$0x3FB3]  }
0x2c: {  	s7 =	sld [smem:$0x3FB4]  }
0x2d: {  	s3 =	simm.s32 $0x108;
	s8 =	sld [smem:$0x3FB5]  }
0x2e: {  	s3 =	simm.s32 @!p0 $0x1082;
	s9 =	sld [smem:$0x3FB6]  }
0x2f: {  	lr =	sadd.s32 s0, s3;
	s0 =	sld [smem:$0x3FAD]  }
0x30: {  	s3 =	sld [smem:$0x3FB0]  }
0x31: {  	[smem:$0x3FB9] =	sst s10  }
0x32: {  	s10 =	sld [smem:$0x3FB7];
	_ =	sdelay $0x3  }
0x33: {  	p0 =	seq.s32 s10, $0x1;
	s10 =	sld [smem:$0x3FB9];
	_ =	sdelay $0x3  }
0x34: {  	[smem:$0x3FB9] =	sst s10  }
0x35: {  	s10 =	sld [smem:$0x3FB8];
	_ =	sdelay $0x3  }
0x36: {  	p1 =	seq.s32 s10, $0x1;
	s10 =	sld [smem:$0x3FB9];
	_ =	sdelay $0x3  }
0x37: {  	[smem:$0x3FB9] =	sst s10  }
0x38: {  	s10 =	sld [smem:$0x3FBA]  }
0x39: {  	_ = 	snop;
	(pc) =	sbr.ind lr, $3  }
0x3a: {  	_ = 	snop  }
0x3b: {  	_ = 	snop  }
0x3c: {  	p2 =	seq.s32 s10, $0x1;
	s10 =	sld [smem:$0x3FB9]  }
0x3d: {  	_ =	shalt  }
0x3e: {  	_ =	shalt  }
0x3f: {  	_ =	shalt  }
0x40: {  	_ =	shalt  }
0x41: {  	_ =	shalt  }
0x42: {  	_ =	shalt  }
0x43: {  	_ =	shalt  }
0x44: {  	_ =	shalt  }
0x45: {  	_ =	shalt  }
0x46: {  	_ =	shalt  }
0x47: {  	_ =	shalt  }
0x48: {  	_ =	shalt  }
0x49: {  	_ =	shalt  }
0x4a: {  	_ =	shalt  }
0x4b: {  	_ =	shalt  }
0x4c: {  	_ =	shalt  }
0x4d: {  	_ =	shalt  }
0x4e: {  	_ =	shalt  }
0x4f: {  	_ =	shalt  }
0x50: {  	_ =	shalt  }
0x51: {  	_ =	shalt  }
0x52: {  	_ =	shalt  }
0x53: {  	_ =	shalt  }
0x54: {  	_ =	shalt  }
0x55: {  	_ =	shalt  }
0x56: {  	_ =	shalt  }
0x57: {  	_ =	shalt  }
0x58: {  	_ =	shalt  }
0x59: {  	_ =	shalt  }
0x5a: {  	_ =	shalt  }
0x5b: {  	_ =	shalt  }
0x5c: {  	_ =	shalt  }
0x5d: {  	_ =	shalt  }
0x5e: {  	_ =	shalt  }
0x5f: {  	_ =	shalt  }
0x60: {  	_ =	shalt  }
0x61: {  	_ =	shalt  }
0x62: {  	_ =	shalt  }
0x63: {  	_ =	shalt  }
0x64: {  	_ =	shalt  }
0x65: {  	_ =	shalt  }
0x66: {  	_ =	shalt  }
0x67: {  	_ =	shalt  }
0x68: {  	_ =	shalt  }
0x69: {  	_ =	shalt  }
0x6a: {  	_ =	shalt  }
0x6b: {  	_ =	shalt  }
0x6c: {  	_ =	shalt  }
0x6d: {  	_ =	shalt  }
0x6e: {  	_ =	shalt  }
0x6f: {  	_ =	shalt  }
0x70: {  	_ =	shalt  }
0x71: {  	_ =	shalt  }
0x72: {  	_ =	shalt  }
0x73: {  	_ =	shalt  }
0x74: {  	_ =	shalt  }
0x75: {  	_ =	shalt  }
0x76: {  	_ =	shalt  }
0x77: {  	_ =	shalt  }
0x78: {  	_ =	shalt  }
0x79: {  	_ =	shalt  }
0x7a: {  	_ =	shalt  }
0x7b: {  	_ =	shalt  }
0x7c: {  	_ =	shalt  }
0x7d: {  	_ =	shalt  }
0x7e: {  	_ =	shalt  }
0x7f: {  	_ =	shalt  }
0x80: {  	_ =	shalt  }
0x81: {  	_ =	shalt  }
0x82: {  	_ =	shalt  }
0x83: {  	_ =	shalt  }
0x84: {  	_ =	shalt  }
0x85: {  	_ =	shalt  }
0x86: {  	_ =	shalt  }
0x87: {  	_ =	shalt  }
.Lfunc_end0:
.L_simem_size_0:
called_computation.2_lowered:
.L_overlay_start_0:
0x88: {  	s2 =	sld [smem:$0x3FD9]  }
0x89: {  	s3 =	sld [smem:$0x3FFE];
	_ =	sdelay $0x1  }
0x8a: {  	s1 =	srdreg.scid  }
0x8b: {  	s0 =	sand.u32 $0x1, s1  }
0x8c: {  	s17 =	sshll.u32 s0, $0xA;
	s2 =	sadd.s32 s3, s2  }
0x8d: {  	s2 =	sadd.s32 s2, s17  }
0x8e: {  	[smem:$0x3FC5] =	sst s2  }
0x8f: {  	_ = 	snop  }
0x90: {  	s2 =	sld [smem:$0x3FD0];
	(tm) =	ssettm $0x1  }
0x91: {  	s18 =	sld [smem:$0x3FFB];
	_ =	sdelay $0x3  }
0x92: {  	_ =	strace s18  }
0x93: {  	s3 =	sld [smem:$0x3FFC];
	_ =	sdelay $0x3  }
0x94: {  	_ =	strace s3  }
0x95: {  	s3 =	sld [smem:$0x3FFD];
	_ =	sdelay $0x3  }
0x96: {  	_ =	strace s3  }
0x97: {  	_ =	strace $0x8FFFFFFF  }
0x98: {  	s19 =	sld [smem:$0x3FDB];
	_ =	sdelay $0x1  }
0x99: {  	s4 =	simm.s32 $_scs_section_size  }
0x9a: {  	s5 =	simm.s32 $_size__tile_overlayer_lowered;
	s6 =	simm.s32 $_tile_overlayer_lowered  }
0x9b: {  	s22 =	simm.s32 $0x1BFF;
	s21 =	sshll.u32 s6, $0x1;
	s3 =	sadd.s32 s4, s19  }
0x9c: {  	s7 =	simm.s32 $0x0;
	s20 =	sshll.u32 s5, $0x1;
	s5 =	sadd.s32 s21, s3  }
0x9d: {  	[timem:s7], [sflag:s22] =	dma.local [hbm:s5], s20  }
0x9e: {  	_ =	swait.ge [sflag:s22], s20  }
0x9f: {  	s4 =	ssub.s32 $0x0, s20;
	[sflag:s22] =	ssyncset.done $0x0  }
0xa0: {  	[sflag:s22] =	ssyncadd.s32 s4;
	_ =	sdelay $0x1  }
0xa1: {  	s23 =	simm.s32 $0x1B8B  }
0xa2: {  	_ =	swait.ge [sflag:s23], $0x1  }
0xa3: {  	[sflag:s23] =	ssyncset.done $0x0  }
0xa4: {  	s25 =	simm.s32 $0x1B8E;
	s24 =	sld [smem:$0x3FFE];
	[sflag:s23] =	ssyncadd.s32 $0xFFFFFFFF  }
0xa5: {  	s26 =	simm.s32 $execute0_lowered;
	[smem:$0x3FD2] =	sst s25  }
0xa6: {  	s5 =	sshll.u32 s26, $0x1;
	_ =	strace $0x80000049;
	[dreg:$0x1] =	wrdreg $0xFFFFFFFF  }
0xa7: {  	s28 =	simm.s32 $_size_execute0_lowered;
	s3 =	sadd.s32 s3, s5;
	[dreg:$0x0] =	wrdreg $0x0  }
0xa8: {  	s5 =	sshll.u32 s28, $0x1;
	[dreg:$0x2] =	wrdreg s3  }
0xa9: {  	[dreg:$0x3] =	wrdreg s5  }
0xaa: {  	[dreg:$0x4] =	wrdreg $0xC0  }
0xab: {  	_ =	task [dreg:s7], $0x5FFFF  }
0xac: {  	[dreg:$0x1] =	wrdreg $0xFFFFFFFF  }
0xad: {  	[dreg:$0x0] =	wrdreg $0x60  }
0xae: {  	[dreg:$0x2] =	wrdreg s2  }
0xaf: {  	[dreg:$0x3] =	wrdreg s24  }
0xb0: {  	[dreg:$0x4] =	wrdreg $0x9  }
0xb1: {  	_ =	task.clear_ibuf [dreg:s7], $0x5FFFF;
	_ =	strace $0x90000049  }
0xb2: {  	s29 =	simm.s32 $0x9;
	_ =	strace $0x8000004B  }
0xb3: {  	_ =	swait.ge [sflag:s29], $0x1  }
0xb4: {  	[sflag:s29] =	ssyncadd.s32 $0xFFFFFFFF  }
0xb5: {  	_ =	strace $0x9000004B  }
0xb6: {  	_ =	sfence  }
0xb7: {  	s30 =	sld [smem:$0x0];
	_ =	sdelay $0x2  }
0xb8: {  	s31 =	sshll.u32 s1, $0xD;
	s1 =	sshrl.u32 s1, $0x2  }
0xb9: {  	s3 =	sand.u32 $0x4000, s31;
	s1 =	sadd.s32 s1, s30  }
0xba: {  	s0 =	sor.u32 s3, s0;
	s1 =	sshll.u32 s1, $0x11  }
0xbb: {  	s0 =	sor.u32 s1, s0  }
0xbc: {  	s0 =	sadd.s32 $0x8F2B, s0  }
0xbd: {  	[sflag:s0] =	ssyncadd.remote.s32 $0x1  }
0xbe: {  	_ =	sfence.sel $0xFFFF  }
0xbf: {  	[dreg:$0x0] =	wrdreg $0xFFFFFFFF;
	(pc) =	sbr.abs _section_cstart, $3  }
0xc0: {  	[dreg:$0x1] =	wrdreg $0xFFFFFFFF  }
0xc1: {  	_ =	task.clear_ibuf [dreg:s7], $0x2FFFF;
	_ =	strace $0x9FFFFFFF  }
0xc2: {  	(tm) =	ssettm $0x7FFFFFFF  }
0xc3: {  	_ =	shalt  }
tec
execute0_lowered:
.L_overlay_start_1:
0x0: {  	(tag) =	ssettag $0x1  }
0x1: {  	s0 =	srdreg.scid  }
0x2: {  	s3 =	stileid.u32;
	s2 =	rddreg [dreg:$0x0];
	s0 =	sand.u32 $0x1, s0  }
0x3: {  	s6 =	rddreg [dreg:$0x1];
	s1 =	sor.u32 s0, s3  }
0x4: {  	s13 =	simm.s32 $0x80;
	p1 =	seq.s32 s0, $0x1;
	p0 =	seq.s32 s1, $0x0  }
0x5: {  	s14 =	simm.s32 $0x400;
	s15 =	simm.s32 $0x16900;
	p0 =	por !p0, !p1  }
0x6: {  	s17 =	simm.s32 $0x18900;
	s1 =	simm.s32 $0x1;
	p0 =	por !p0, !p0  }
0x7: {  	s18 =	simm.s32 $0x1A900;
	s7 =	ssub.s32 $0x2, s0;
	s1 =	simm.s32 @!p0 $0x0  }
0x8: {  	s19 =	simm.s32 $0x0;
	s10 =	sshrl.u32 s7, $0x1;
	s1 =	ssub.s32 s3, s1  }
0x9: {  	s11 =	ssub.s32 s7, s10;
	s8 =	sshrl.u32 s1, $0x3;
	s1 =	sshll.u32 s1, $0x7  }
0xa: {  	s3 =	simm.s32 $0x0;
	s1 =	sand.u32 $0x380, s1;
	s4 =	sshll.u32 s8, $0xF  }
0xb: {  	s11 =	smax.u32 s11, $0x1;
	[smem:$0x7FF] =	sst s3;
	s4 =	sor.u32 s1, s4  }
0xc: {  	_ =	strace $0x8000004A;
	s31 =	sshll.u32 s8, $0x17;
	s5 =	sshrl.u32 s4, $0x3  }
0xd: {  	s10 =	sor.u32 s1, s31;
	s4 =	simm.s32 $0x1;
	s9 =	sadd.s32 s5, s6  }
0xe: {  	s7 =	sadd.s32 $0x3E00, s9;
	s8 =	sadd.s32 $0x1E00, s9;
	s9 =	sshll.u32 s0, $0x9  }
0xf: {  	v0 =	vlaneseq.u32;
	s5 =	sadd.s32 $0x5E00, s6;
	s6 =	sadd.s32 $0x8C00, s6;
	s12 =	ssub.s32 $0x0, s9  }
.LBB2_1:
0x10: {  	[tilespmem:s3], [sflag:$0x1] =	stream.linear.gather [hbm4b:s5+s3], $0x16900, $0x38;
	[tilespmem:$0x1C900] =	vst v63  }
0x11: {  	_ =	swait.ge [sflag:s4], $0x16900  }
0x12: {  	[sflag:s4] =	ssyncset.done $0x0  }
0x13: {  	[sflag:s4] =	ssyncadd.s32 $0xFFFE9700  }
0x14: {  	[tilespmem:s15], [sflag:$0x1] =	stream.strided.gather [hbm4b:s7+s13], $0x1000, s14, s13, $0x38;
	[tilespmem:$0x1C900] =	vst v63  }
0x15: {  	_ =	swait.ge [sflag:s4], $0x1000  }
0x16: {  	[sflag:s4] =	ssyncset.done $0x0  }
0x17: {  	s0 =	simm.s32 $0x17900;
	[sflag:s4] =	ssyncadd.s32 $0xFFFFF000  }
0x18: {  	[tilespmem:s0], [sflag:$0x1] =	stream.strided.gather [hbm4b:s8+s13], $0x1000, s14, s13, $0x38;
	[tilespmem:$0x1C900] =	vst v63  }
0x19: {  	_ =	swait.ge [sflag:s4], $0x1000  }
0x1a: {  	[sflag:s4] =	ssyncset.done $0x0  }
0x1b: {  	s20 =	smov.u32 s12;
	s21 =	simm.s32 $0x0;
	[sflag:s4] =	ssyncadd.s32 $0xFFFFF000  }
.LBB2_2:
0x1c: {  	s0 =	sshll.u32 s21, $0x3  }
0x1d: {  	s22 =	sadd.s32 s9, s0  }
0x1e: {  	s0 =	sshll.u32 s22, $0xD  }
0x1f: {  	s0 =	sadd.s32 s10, s0  }
0x20: {  	s23 =	sshrl.u32 s0, $0x3  }
0x21: {  	s0 =	sadd.s32 s2, s23  }
0x22: {  	[tilespmem:s17], [sflag:$0x1] =	stream.strided.gather [hbm4b:s0+s13], $0x2000, s14, s13, $0x38;
	[tilespmem:$0x1C900] =	vst v63  }
0x23: {  	_ =	swait.ge [sflag:s4], $0x2000  }
0x24: {  	s24 =	simm.s32 $0x0;
	s25 =	simm.s32 $0x1A920;
	[sflag:s4] =	ssyncset.done $0x0  }
0x25: {  	s26 =	simm.s32 $0x18920;
	s28 =	smov.u32 s20;
	[sflag:s4] =	ssyncadd.s32 $0xFFFFE000  }
.LBB2_3:
0x26: {  	s0 =	sor.u32 s22, s24  }
0x27: {  	v1 =	vmov s0;
	s1 =	sor.u32 $0x400, s0  }
0x28: {  	s16 =	sor.u32 $0x800, s0;
	v2 =	vmov s1  }
0x29: {  	s0 =	sor.u32 $0xC00, s0;
	v3 =	vmov s16  }
0x2a: {  	v4 =	vmov s0;
	_ =	sdelay $0x1  }
0x2b: {  	v1 =	vld.idx.msk [tilespmem:v1+s15+$0x0], $0xffff  }
0x2c: {  	v2 =	vld.idx.msk [tilespmem:v2+s15+$0x0], $0xffff  }
0x2d: {  	s29 =	simm.s32 $0x18110;
	v3 =	vld.idx.msk [tilespmem:v3+s15+$0x0], $0xffff  }
0x2e: {  	s30 =	smov.u32 s26;
	s31 =	smov.u32 s25;
	s1 =	simm.s32 $0x0;
	v4 =	vld.idx.msk [tilespmem:v4+s15+$0x0], $0xffff  }
.LBB2_4:
0x2f: {  	v5 =	vld [tilespmem:s29+$0xFFFFF7F0];
	s16 =	sand.u32 $0x3C0, s1  }
0x30: {  	v6 =	vld [tilespmem:s16+$0x18100]  }
0x31: {  	v7 =	vld [tilespmem:s16+$0x17D00]  }
0x32: {  	s0 =	sadd.s32 s1, s28;
	v9 =	vld [tilespmem:s16+$0x18500]  }
0x33: {  	v8 =	vadd.s32 s0, v0  }
0x34: {  	vm0 =	vgt.s32 v8, $0x3;
	vm1 =	vgt.s32 v8, $0x1  }
0x35: {  	vm14 =	vlt.s32 v8, $0xFFFFFFFD;
	v5 =	vadd.s32 v1, v5;
	v6 =	vadd.s32 v3, v6  }
0x36: {  	vm15 =	vlt.s32 v8, $0xFFFFFFFF;
	v5 =	vnsel vm0, $0x15600, v5;
	v6 =	vnsel vm1, $0x120, v6  }
0x37: {  	v5 =	vadd.s32 v5, v6;
	v6 =	vadd.s32 v2, v7;
	v7 =	vadd.s32 v4, v9  }
0x38: {  	v6 =	vnsel vm14, $0x15600, v6;
	v7 =	vnsel vm15, $0x120, v7  }
0x39: {  	v6 =	vadd.s32 v6, v7;
	_ =	sdelay $0x1  }
0x3a: {  	v7 =	vld [tilespmem:s30+$0xFFFFFFE0]  }
0x3b: {  	v5 =	vld.idx.msk [tilespmem:v5+s3+$0x0], $0xffff;
	_ =	sdelay $0x1  }
0x3c: {  	v6 =	vld.idx.msk [tilespmem:v6+s3+$0x0], $0xffff;
	_ =	sdelay $0x2  }
0x3d: {  	v5 =	vadd.f32 v7, v5;
	_ =	sdelay $0x1  }
0x3e: {  	v5 =	vadd.f32 v5, v6;
	_ =	sdelay $0x1  }
0x3f: {  	[tilespmem:s31+$0xFFFFFFE0] =	vst v5  }
0x40: {  	v5 =	vld [tilespmem:s29+$0xFFFFF800]  }
0x41: {  	v6 =	vld [tilespmem:s29+$0x0]  }
0x42: {  	v7 =	vld [tilespmem:s29+$0xFFFFFC00]  }
0x43: {  	s16 =	sadd.s32 $0x10, s0;
	v59 =	vld [tilespmem:s29+$0x400]  }
0x44: {  	v58 =	vadd.s32 s16, v0  }
0x45: {  	vm4 =	vgt.s32 v58, $0x3;
	vm5 =	vgt.s32 v58, $0x1  }
0x46: {  	vm6 =	vlt.s32 v58, $0xFFFFFFFD;
	v5 =	vadd.s32 v1, v5;
	v6 =	vadd.s32 v3, v6  }
0x47: {  	vm7 =	vlt.s32 v58, $0xFFFFFFFF;
	v5 =	vnsel vm4, $0x15600, v5;
	v6 =	vnsel vm5, $0x120, v6  }
0x48: {  	v5 =	vadd.s32 v5, v6;
	v6 =	vadd.s32 v2, v7;
	v7 =	vadd.s32 v4, v59  }
0x49: {  	v6 =	vnsel vm6, $0x15600, v6;
	v7 =	vnsel vm7, $0x120, v7  }
0x4a: {  	v6 =	vadd.s32 v6, v7;
	_ =	sdelay $0x1  }
0x4b: {  	v7 =	vld [tilespmem:s30+$0xFFFFFFF0]  }
0x4c: {  	v5 =	vld.idx.msk [tilespmem:v5+s3+$0x0], $0xffff;
	_ =	sdelay $0x1  }
0x4d: {  	v6 =	vld.idx.msk [tilespmem:v6+s3+$0x0], $0xffff;
	_ =	sdelay $0x2  }
0x4e: {  	v5 =	vadd.f32 v7, v5;
	_ =	sdelay $0x1  }
0x4f: {  	v5 =	vadd.f32 v5, v6;
	_ =	sdelay $0x1  }
0x50: {  	[tilespmem:s31+$0xFFFFFFF0] =	vst v5  }
0x51: {  	v5 =	vld [tilespmem:s29+$0xFFFFF810]  }
0x52: {  	v6 =	vld [tilespmem:s29+$0x10]  }
0x53: {  	v7 =	vld [tilespmem:s29+$0xFFFFFC10]  }
0x54: {  	s16 =	sadd.s32 $0x20, s0;
	v61 =	vld [tilespmem:s29+$0x410]  }
0x55: {  	v60 =	vadd.s32 s16, v0  }
0x56: {  	vm8 =	vgt.s32 v60, $0x3;
	vm9 =	vgt.s32 v60, $0x1  }
0x57: {  	vm10 =	vlt.s32 v60, $0xFFFFFFFD;
	v5 =	vadd.s32 v1, v5;
	v6 =	vadd.s32 v3, v6  }
0x58: {  	vm11 =	vlt.s32 v60, $0xFFFFFFFF;
	v5 =	vnsel vm8, $0x15600, v5;
	v6 =	vnsel vm9, $0x120, v6  }
0x59: {  	v5 =	vadd.s32 v5, v6;
	v6 =	vadd.s32 v2, v7;
	v7 =	vadd.s32 v4, v61  }
0x5a: {  	v6 =	vnsel vm10, $0x15600, v6;
	v7 =	vnsel vm11, $0x120, v7  }
0x5b: {  	v6 =	vadd.s32 v6, v7;
	_ =	sdelay $0x1  }
0x5c: {  	v7 =	vld [tilespmem:s30+$0x0]  }
0x5d: {  	v5 =	vld.idx.msk [tilespmem:v5+s3+$0x0], $0xffff;
	_ =	sdelay $0x1  }
0x5e: {  	v6 =	vld.idx.msk [tilespmem:v6+s3+$0x0], $0xffff;
	_ =	sdelay $0x2  }
0x5f: {  	v5 =	vadd.f32 v7, v5;
	_ =	sdelay $0x1  }
0x60: {  	v5 =	vadd.f32 v5, v6;
	_ =	sdelay $0x1  }
0x61: {  	[tilespmem:s31+$0x0] =	vst v5  }
0x62: {  	v5 =	vld [tilespmem:s29+$0xFFFFF820]  }
0x63: {  	v6 =	vld [tilespmem:s29+$0x20]  }
0x64: {  	v7 =	vld [tilespmem:s29+$0xFFFFFC20]  }
0x65: {  	s0 =	sadd.s32 $0x30, s0;
	v63 =	vld [tilespmem:s29+$0x420]  }
0x66: {  	v62 =	vadd.s32 s0, v0  }
0x67: {  	vm12 =	vgt.s32 v62, $0x3;
	vm13 =	vgt.s32 v62, $0x1  }
0x68: {  	vm14 =	vlt.s32 v62, $0xFFFFFFFD;
	v5 =	vadd.s32 v1, v5;
	v6 =	vadd.s32 v3, v6  }
0x69: {  	vm15 =	vlt.s32 v62, $0xFFFFFFFF;
	v5 =	vnsel vm12, $0x15600, v5;
	v6 =	vnsel vm13, $0x120, v6  }
0x6a: {  	v5 =	vadd.s32 v5, v6;
	v6 =	vadd.s32 v2, v7;
	v7 =	vadd.s32 v4, v63  }
0x6b: {  	v6 =	vnsel vm14, $0x15600, v6;
	v7 =	vnsel vm15, $0x120, v7  }
0x6c: {  	v6 =	vadd.s32 v6, v7;
	_ =	sdelay $0x1  }
0x6d: {  	v7 =	vld [tilespmem:s30+$0x10]  }
0x6e: {  	v5 =	vld.idx.msk [tilespmem:v5+s3+$0x0], $0xffff;
	_ =	sdelay $0x1  }
0x6f: {  	v6 =	vld.idx.msk [tilespmem:v6+s3+$0x0], $0xffff;
	_ =	sdelay $0x1  }
0x70: {  	p0 =	sne.s32 s1, $0x3C0  }
.Ltmp0:
0x71: {  	v5 =	vadd.f32 v7, v5;
	(pc) =	sbr.rel @p0 .LBB2_4-.Ltmp0, $4  }
0x72: {  	_ = 	snop  }
0x73: {  	v5 =	vadd.f32 v5, v6  }
0x74: {  	s1 =	sadd.s32 $0x40, s1  }
0x75: {  	s29 =	sadd.s32 $0x40, s29;
	s30 =	sadd.s32 $0x40, s30;
	[tilespmem:s31+$0x10] =	vst v5;
	s31 =	sadd.s32 $0x40, s31  }
0x76: {  	s24 =	sadd.s32 $0x1, s24  }
0x77: {  	p0 =	sne.s32 s24, $0x8  }
.Ltmp1:
0x78: {  	_ = 	snop;
	(pc) =	sbr.rel @p0 .LBB2_3-.Ltmp1, $2  }
0x79: {  	_ =	sdelay $0x2  }
0x7a: {  	s28 =	sadd.s32 $0xFFFFFFFF, s28;
	s25 =	sadd.s32 $0x400, s25;
	s26 =	sadd.s32 $0x400, s26  }
0x7b: {  	s21 =	sadd.s32 $0x1, s21  }
0x7c: {  	p0 =	sne.s32 s21, $0x40  }
.Ltmp2:
0x7d: {  	s0 =	sadd.s32 s6, s23;
	(pc) =	sbr.rel @p0 .LBB2_2-.Ltmp2, $4  }
0x7e: {  	[hbm4b:s0+s13] =	stream.strided.scatter [tilespmem:s18], [sflag:$0x1], $0x2000, s14, s13, $0x38;
	[tilespmem:$0x1C900] =	vst v63  }
0x7f: {  	_ =	swait.ge [sflag:s4], $0x2000  }
0x80: {  	[sflag:s4] =	ssyncset.done $0x0  }
0x81: {  	s20 =	sadd.s32 $0xFFFFFFF8, s20;
	[sflag:s4] =	ssyncadd.s32 $0xFFFFE000  }
0x82: {  	s19 =	sadd.s32 $0x1, s19  }
0x83: {  	p0 =	sne.s32 s19, s11  }
.Ltmp3:
0x84: {  	_ = 	snop;
	(pc) =	sbr.rel @p0 .LBB2_1-.Ltmp3, $1  }
0x85: {  	_ =	sdelay $0x3  }
0x86: {  	_ =	sfence.sel $0x180000  }
0x87: {  	[bflag:$0x0] =	sbarrier.arrive $0xFFFF  }
0x88: {  	_ =	strace $0x9000004A  }
0x89: {  	s0 =	stileid.u32;
	[bflag:$0x2] =	sbarrier.arrive $0xFFFF  }
0x8a: {  	p0 =	sne.s32 s0, $0x0;
	s0 =	rddreg [dreg:$0x2]  }
0x8b: {  	s0 =	sadd.s32 @!p0 $0x100000, s0  }
0x8c: {  	[sflag:s0] =	ssyncadd.tile.s32 @!p0 $0x1;
	_ =	shalt  }
.Lfunc_end2:
_tile_overlayer_lowered:
.L_overlay_start_2:
0x8d: {  	(tag) =	ssettag $0x2  }
0x8e: {  	s0 =	rddreg [dreg:$0x0];
	s2 =	stileid.u32  }
0x8f: {  	s1 =	rddreg [dreg:$0x1];
	p0 =	sne.s32 s2, $0x0  }
0x90: {  	s3 =	rddreg [dreg:$0x2];
	[bflag:$0x3] =	sbarrier.arrive $0xFFFF;
	s2 =	simm.s32 @!p0 $0x1C01  }
0x91: {  	[timem:s3], [sflag:s2] =	dma.local @!p0 [hbm:s0], s1  }
0x92: {  	s0 =	simm.s32 @!p0 $0x1  }
0x93: {  	_ =	swait.ge @!p0 [sflag:s0], s1  }
0x94: {  	s1 =	ssub.s32 @!p0 $0x0, s1;
	[sflag:s0] =	ssyncset.done @!p0 $0x0  }
0x95: {  	[sflag:s0] =	ssyncadd.s32 @!p0 s1  }
0x96: {  	[bflag:$0x3] =	sbarrier.arrive $0xFFFF  }
0x97: {  	_ =	shalt  }

// kernel: sparse-core-data-format-call.1.cloned.1.call-start
scs
called_computation.1_lowered:
.L_overlay_start_0:
0x0: {  	s2 =	sld [smem:$0x3FD9]  }
0x1: {  	s3 =	sld [smem:$0x3FFE];
	_ =	sdelay $0x1  }
0x2: {  	s1 =	srdreg.scid  }
0x3: {  	s0 =	sand.u32 $0x1, s1  }
0x4: {  	s19 =	sshll.u32 s0, $0xA;
	s2 =	sadd.s32 s3, s2  }
0x5: {  	s2 =	sadd.s32 s2, s19  }
0x6: {  	[smem:$0x3FC5] =	sst s2  }
0x7: {  	_ = 	snop  }
0x8: {  	s2 =	sld [smem:$0x3FC9]  }
0x9: {  	s20 =	sld [smem:$0x3FD0];
	(tm) =	ssettm $0x1  }
0xa: {  	s4 =	sld [smem:$0x3FFB];
	_ =	sdelay $0x3  }
0xb: {  	_ =	strace s4  }
0xc: {  	s4 =	sld [smem:$0x3FFC];
	_ =	sdelay $0x3  }
0xd: {  	_ =	strace s4  }
0xe: {  	s4 =	sld [smem:$0x3FFD];
	_ =	sdelay $0x3  }
0xf: {  	_ =	strace s4  }
0x10: {  	_ =	strace $0x8FFFFFFF  }
0x11: {  	s21 =	sld [smem:$0x3FDB];
	_ =	sdelay $0x1  }
0x12: {  	s5 =	simm.s32 $_scs_section_size  }
0x13: {  	s6 =	simm.s32 $_size__tile_overlayer_lowered;
	s7 =	simm.s32 $_tile_overlayer_lowered  }
0x14: {  	s24 =	simm.s32 $0x1BFF;
	s23 =	sshll.u32 s7, $0x1;
	s4 =	sadd.s32 s5, s21  }
0x15: {  	s8 =	simm.s32 $0x0;
	s22 =	sshll.u32 s6, $0x1;
	s6 =	sadd.s32 s23, s4  }
0x16: {  	[timem:s8], [sflag:s24] =	dma.local [hbm:s6], s22  }
0x17: {  	_ =	swait.ge [sflag:s24], s22  }
0x18: {  	s5 =	ssub.s32 $0x0, s22;
	[sflag:s24] =	ssyncset.done $0x0  }
0x19: {  	[sflag:s24] =	ssyncadd.s32 s5;
	_ =	sdelay $0x1  }
0x1a: {  	s25 =	simm.s32 $0x1B8B  }
0x1b: {  	_ =	swait.ge [sflag:s25], $0x1  }
0x1c: {  	[sflag:s25] =	ssyncset.done $0x0  }
0x1d: {  	s26 =	simm.s32 $0x1B8E;
	[sflag:s25] =	ssyncadd.s32 $0xFFFFFFFF  }
0x1e: {  	s27 =	simm.s32 $execute0_lowered;
	[smem:$0x3FD2] =	sst s26  }
0x1f: {  	s5 =	sshll.u32 s27, $0x1;
	_ =	strace $0x80000046;
	[dreg:$0x1] =	wrdreg $0xFFFFFFFF  }
0x20: {  	s28 =	simm.s32 $_size_execute0_lowered;
	s4 =	sadd.s32 s4, s5;
	[dreg:$0x0] =	wrdreg $0x0  }
0x21: {  	s5 =	sshll.u32 s28, $0x1;
	[dreg:$0x2] =	wrdreg s4  }
0x22: {  	[dreg:$0x3] =	wrdreg s5  }
0x23: {  	[dreg:$0x4] =	wrdreg $0xC0  }
0x24: {  	_ =	task [dreg:s8], $0x5FFFF  }
0x25: {  	[dreg:$0x1] =	wrdreg $0xFFFFFFFF  }
0x26: {  	[dreg:$0x0] =	wrdreg $0x60  }
0x27: {  	[dreg:$0x2] =	wrdreg s2  }
0x28: {  	[dreg:$0x3] =	wrdreg s20  }
0x29: {  	[dreg:$0x4] =	wrdreg $0x9  }
0x2a: {  	_ =	task.clear_ibuf [dreg:s8], $0x5FFFF;
	_ =	strace $0x90000046  }
0x2b: {  	s29 =	simm.s32 $0x9;
	_ =	strace $0x80000048  }
0x2c: {  	_ =	swait.ge [sflag:s29], $0x1  }
0x2d: {  	[sflag:s29] =	ssyncadd.s32 $0xFFFFFFFF  }
0x2e: {  	_ =	strace $0x90000048  }
0x2f: {  	_ =	sfence  }
0x30: {  	s30 =	sld [smem:$0x0];
	_ =	sdelay $0x2  }
0x31: {  	s31 =	sshll.u32 s1, $0xD;
	s1 =	sshrl.u32 s1, $0x2  }
0x32: {  	s3 =	sand.u32 $0x4000, s31;
	s1 =	sadd.s32 s1, s30  }
0x33: {  	s0 =	sor.u32 s3, s0;
	s1 =	sshll.u32 s1, $0x11  }
0x34: {  	s0 =	sor.u32 s1, s0  }
0x35: {  	s0 =	sadd.s32 $0x8F2B, s0  }
0x36: {  	[sflag:s0] =	ssyncadd.remote.s32 $0x1  }
0x37: {  	_ =	sfence.sel $0xFFFF  }
0x38: {  	[dreg:$0x0] =	wrdreg $0xFFFFFFFF;
	(pc) =	sbr.abs _section_cstart, $3  }
0x39: {  	[dreg:$0x1] =	wrdreg $0xFFFFFFFF  }
0x3a: {  	_ =	task.clear_ibuf [dreg:s8], $0x2FFFF;
	_ =	strace $0x9FFFFFFF  }
0x3b: {  	(tm) =	ssettm $0x7FFFFFFF  }
tec
execute0_lowered:
.L_overlay_start_1:
0x0: {  	(tag) =	ssettag $0x1  }
0x1: {  	s1 =	srdreg.scid;
	s4 =	rddreg [dreg:$0x0]  }
0x2: {  	s0 =	stileid.u32;
	s5 =	rddreg [dreg:$0x1];
	s31 =	simm.s32 $0x2  }
0x3: {  	s17 =	simm.s32 $0x0;
	s10 =	simm.s32 $0x2000;
	s11 =	simm.s32 $0x0  }
0x4: {  	s18 =	simm.s32 $0x0;
	s20 =	simm.s32 $0x0;
	s2 =	sshll.u32 s1, $0x7  }
0x5: {  	s19 =	simm.s32 $0x0;
	s1 =	sand.u32 $0x1, s0;
	s3 =	sand.u32 $0x80, s2  }
0x6: {  	s12 =	simm.s32 $0x0;
	s30 =	ssub.s32 $0x2, s1;
	s6 =	ssub.s32 $0x400, s3  }
0x7: {  	s16 =	simm.s32 $0x0;
	s7 =	sshrl.u32 s30, $0x1;
	s8 =	sshrl.u32 s6, $0x7  }
0x8: {  	s9 =	sand.u32 $0x1, s30;
	s6 =	sshrl.u32 s6, $0x8;
	s8 =	sand.u32 $0x1, s8  }
.Ltmp0:
0x9: {  	s7 =	sadd.s32 s9, s7;
	s8 =	sadd.s32 s6, s8;
	(pc) =	sbr.rel .LBB1_1-.Ltmp0, $4  }
0xa: {  	s2 =	rddreg [dreg:$0x2];
	_ =	strace $0x80000047;
	s8 =	smul.u32 s8, s7  }
0xb: {  	s15 =	smov.u32 s1;
	s13 =	smov.u32 s3;
	s6 =	simm.s32 $0x1  }
0xc: {  	[sflag:s6] =	ssyncpa.u1 $0x0;
	s7 =	sshrl.u32 s0, $0x1;
	s8 =	sshll.u32 s8, $0x3  }
0xd: {  	[sflag:s31] =	ssyncpa.u1 $0x0;
	s14 =	smov.u32 s7;
	s9 =	sor.u32 $0x1, s8  }
.LBB1_4:
0xe: {  	_ =	sdelay $0x3  }
0xf: {  	[tilespmem:v0+s23+$0xFFFFFFA0 ss:$0x1] =	vst.idx.msk $0xffff, v6  }
0x10: {  	v56 =	vld.idx.msk [tilespmem:v1+s22+$0x30 ss:$0x1], $0xffff;
	[tilespmem:v0+s23+$0xFFFFFFB0 ss:$0x1] =	vst.idx.msk $0xffff, v4  }
0x11: {  	v57 =	vld.idx.msk [tilespmem:v1+s22+$0xFFFFFFC0 ss:$0x1], $0xffff;
	[tilespmem:v0+s23+$0xFFFFFFC0 ss:$0x1] =	vst.idx.msk $0xffff, v2  }
0x12: {  	v58 =	vld.idx.msk [tilespmem:v1+s22+$0xFFFFFFD0 ss:$0x1], $0xffff;
	[tilespmem:v0+s23+$0xFFFFFFD0 ss:$0x1] =	vst.idx.msk $0xffff, v3  }
0x13: {  	v59 =	vld.idx.msk [tilespmem:v1+s22+$0xFFFFFFE0 ss:$0x1], $0xffff;
	[tilespmem:v0+s23+$0xFFFFFFE0 ss:$0x1] =	vst.idx.msk $0xffff, v5  }
0x14: {  	v60 =	vld.idx.msk [tilespmem:v1+s22+$0xFFFFFFF0 ss:$0x1], $0xffff;
	[tilespmem:v0+s23+$0xFFFFFFF0 ss:$0x1] =	vst.idx.msk $0xffff, v7  }
0x15: {  	v61 =	vld.idx.msk [tilespmem:v1+s22+$0x0 ss:$0x1], $0xffff;
	[tilespmem:v0+s22+$0x0 ss:$0x1] =	vst.idx.msk $0xffff, v56  }
0x16: {  	v62 =	vld.idx.msk [tilespmem:v1+s22+$0x10 ss:$0x1], $0xffff;
	[tilespmem:v0+s22+$0xFFFFFF90 ss:$0x1] =	vst.idx.msk $0xffff, v57  }
0x17: {  	v63 =	vld.idx.msk [tilespmem:v1+s22+$0x20 ss:$0x1], $0xffff;
	s20 =	sshll.u32 s20, $0x7;
	[tilespmem:v0+s22+$0xFFFFFFA0 ss:$0x1] =	vst.idx.msk $0xffff, v58  }
0x18: {  	s28 =	sand.u32 $0x78, s17;
	s19 =	sshll.u32 s19, $0x14;
	s18 =	sshll.u32 s18, $0xA;
	[tilespmem:v0+s22+$0xFFFFFFB0 ss:$0x1] =	vst.idx.msk $0xffff, v59  }
0x19: {  	s29 =	sand.u32 $0x380, s17;
	s20 =	sand.u32 $0x380, s20;
	s19 =	sadd.s32 s5, s19;
	[tilespmem:v0+s22+$0xFFFFFFC0 ss:$0x1] =	vst.idx.msk $0xffff, v60  }
0x1a: {  	s30 =	sand.u32 $0x7, s17;
	s20 =	sor.u32 s20, s28;
	s18 =	sadd.s32 s18, s19;
	[tilespmem:v0+s22+$0xFFFFFFD0 ss:$0x1] =	vst.idx.msk $0xffff, v61  }
0x1b: {  	s17 =	sshll.u32 s30, $0x12;
	s31 =	sshrl.u32 s20, $0x3;
	s18 =	sadd.s32 s29, s18;
	[tilespmem:v0+s22+$0xFFFFFFE0 ss:$0x1] =	vst.idx.msk $0xffff, v62  }
0x1c: {  	s17 =	sor.u32 $0x80, s17;
	s18 =	sadd.s32 s31, s18;
	[tilespmem:v0+s22+$0xFFFFFFF0 ss:$0x1] =	vst.idx.msk $0xffff, v63  }
0x1d: {  	[hbm4b:s18+s17] =	stream.strided.scatter [tilespmem:s21], [sflag:$0x2], $0x4000, s10, s17, $0x38;
	[tilespmem:$0x10000] =	vst v63  }
.LBB1_5:
0x1e: {  	s21 =	sadd.s32 $0x80, s12  }
0x1f: {  	s17 =	sadd.s32 $0x100, s13;
	s22 =	smov.u32 s13;
	p1 =	sgt.s32 s21, $0x3FF  }
0x20: {  	s22 =	smov.u32 @p1 s17  }
0x21: {  	s23 =	smov.u32 s14;
	s17 =	sadd.s32 $0x8, s14;
	p2 =	sgt.s32 s22, $0x3FF  }
0x22: {  	s23 =	smov.u32 @p2 s17  }
0x23: {  	s24 =	smov.u32 s15;
	s17 =	sadd.s32 $0x2, s15;
	p3 =	sgt.s32 s23, $0x7  }
0x24: {  	p0 =	slt.u32 s16, $0x2;
	s24 =	smov.u32 @p3 s17  }
0x25: {  	s18 =	smov.u32 s13;
	s21 =	simm.s32 @p1 $0x0;
	p1 =	sgt.s32 s24, $0x1  }
0x26: {  	s25 =	simm.s32 @!p0 $0x2;
	s24 =	smov.u32 @p1 s1;
	p1 =	sne.s32 s16, s9  }
.Ltmp1:
0x27: {  	s20 =	smov.u32 s14;
	_ =	swait.ge @!p0 [sflag:s25], $0x4000;
	(pc) =	sbr.rel @!p1 .LBB1_6-.Ltmp1, $4  }
0x28: {  	s19 =	smov.u32 s15;
	[sflag:s25] =	ssyncset.done @!p0 $0x0;
	s22 =	smov.u32 @p2 s3  }
0x29: {  	s11 =	sadd.s32 $0x4000, s11;
	[sflag:s25] =	ssyncadd.s32 @!p0 $0xFFFFC000;
	s13 =	smov.u32 s22  }
0x2a: {  	s23 =	smov.u32 @p3 s7;
	s17 =	smov.u32 s12;
	s12 =	smov.u32 s21  }
0x2b: {  	s14 =	smov.u32 s23;
	s16 =	sadd.s32 $0x1, s16;
	s15 =	smov.u32 s24  }
.LBB1_1:
0x2c: {  	p0 =	sge.u32 s16, s8;
	s31 =	sadd.s32 $0xFFFFFFFF, s16  }
0x2d: {  	s21 =	sxor.u32 @!p0 $0xFFFFFFFF, s16;
	s22 =	sshll.u32 @!p0 s13, $0x7;
	s23 =	sand.u32 @!p0 $0x78, s12  }
0x2e: {  	s25 =	sshll.u32 @!p0 s14, $0x11;
	s21 =	sshll.u32 @!p0 s21, $0xE;
	s24 =	sand.u32 @!p0 $0x380, s22  }
0x2f: {  	s22 =	sand.u32 @!p0 $0x1FC00, s22;
	s23 =	sor.u32 @!p0 s23, s24;
	s24 =	sshll.u32 @!p0 s15, $0x14  }
0x30: {  	s21 =	sand.u32 @!p0 $0x4000, s21;
	s22 =	sadd.s32 @!p0 s12, s22;
	s24 =	sadd.s32 @!p0 s4, s24  }
0x31: {  	s23 =	sshrl.u32 @!p0 s23, $0x3;
	s24 =	sadd.s32 @!p0 s25, s24;
	s25 =	sand.u32 @!p0 $0x7, s12  }
0x32: {  	s22 =	sand.u32 @!p0 $0x1FF80, s22;
	s23 =	sadd.s32 @!p0 s23, s24;
	s24 =	sshll.u32 @!p0 s25, $0x12  }
0x33: {  	s22 =	sadd.s32 @!p0 s22, s23;
	s23 =	sor.u32 @!p0 $0x400, s24;
	s24 =	simm.s32 @!p0 $0x2000  }
0x34: {  	[tilespmem:s21], [sflag:$0x1] =	stream.strided.gather @!p0 [hbm4b:s22+s23], $0x4000, s24, s23, $0x38;
	[tilespmem:$0x10000] =	vst v63  }
0x35: {  	p0 =	sge.u32 s31, s8  }
.Ltmp2:
0x36: {  	_ = 	snop;
	(pc) =	sbr.rel @p0 .LBB1_5-.Ltmp2, $1  }
0x37: {  	_ =	sdelay $0x3  }
0x38: {  	s21 =	sand.u32 $0x4000, s11  }
0x39: {  	s22 =	sor.u32 $0x40, s21  }
0x3a: {  	v1 =	vmov s22;
	_ =	sdelay $0x1  }
0x3b: {  	_ =	swait.ge [sflag:s6], $0x4000  }
0x3c: {  	[sflag:s6] =	ssyncset.done $0x0  }
0x3d: {  	s23 =	simm.s32 $0x0;
	[sflag:s6] =	ssyncadd.s32 $0xFFFFC000  }
0x3e: {  	s21 =	sor.u32 $0x8070, s21;
	v7 =	vld.idx.msk [tilespmem:v1+s23+$0x30 ss:$0x1], $0xffff  }
0x3f: {  	v0 =	vmov s21;
	v8 =	vld.idx.msk [tilespmem:v1+s23+$0xFFFFFFC0 ss:$0x1], $0xffff  }
0x40: {  	v6 =	vld.idx.msk [tilespmem:v1+s23+$0xFFFFFFD0 ss:$0x1], $0xffff  }
0x41: {  	v4 =	vld.idx.msk [tilespmem:v1+s23+$0xFFFFFFE0 ss:$0x1], $0xffff  }
0x42: {  	v2 =	vld.idx.msk [tilespmem:v1+s23+$0xFFFFFFF0 ss:$0x1], $0xffff  }
0x43: {  	s31 =	sshll.u32 s16, $0xE;
	v3 =	vld.idx.msk [tilespmem:v1+s23+$0x0 ss:$0x1], $0xffff  }
0x44: {  	s21 =	sand.u32 $0x4000, s31;
	v5 =	vld.idx.msk [tilespmem:v1+s23+$0x10 ss:$0x1], $0xffff;
	[tilespmem:v0+s23+$0x0 ss:$0x1] =	vst.idx.msk $0xffff, v7  }
0x45: {  	s24 =	simm.s32 $0x400;
	s22 =	simm.s32 $0x80;
	s21 =	sor.u32 $0x8000, s21;
	[tilespmem:v0+s23+$0xFFFFFF90 ss:$0x1] =	vst.idx.msk $0xffff, v8;
	v7 =	vld.idx.msk [tilespmem:v1+s23+$0x20 ss:$0x1], $0xffff  }
.LBB1_3:
0x46: {  	p0 =	sne.s32 s24, $0xFE00;
	v8 =	vld.idx.msk [tilespmem:v1+s22+$0x30 ss:$0x1], $0xffff;
	[tilespmem:v0+s23+$0xFFFFFFA0 ss:$0x1] =	vst.idx.msk $0xffff, v6  }
0x47: {  	v9 =	vld.idx.msk [tilespmem:v1+s22+$0xFFFFFFC0 ss:$0x1], $0xffff;
	[tilespmem:v0+s23+$0xFFFFFFB0 ss:$0x1] =	vst.idx.msk $0xffff, v4  }
0x48: {  	v6 =	vld.idx.msk [tilespmem:v1+s22+$0xFFFFFFD0 ss:$0x1], $0xffff;
	[tilespmem:v0+s23+$0xFFFFFFC0 ss:$0x1] =	vst.idx.msk $0xffff, v2  }
.Ltmp3:
0x49: {  	v4 =	vld.idx.msk [tilespmem:v1+s22+$0xFFFFFFE0 ss:$0x1], $0xffff;
	[tilespmem:v0+s23+$0xFFFFFFD0 ss:$0x1] =	vst.idx.msk $0xffff, v3;
	(pc) =	sbr.rel @p0 .LBB1_3-.Ltmp3, $4  }
0x4a: {  	v2 =	vld.idx.msk [tilespmem:v1+s22+$0xFFFFFFF0 ss:$0x1], $0xffff;
	[tilespmem:v0+s23+$0xFFFFFFE0 ss:$0x1] =	vst.idx.msk $0xffff, v5  }
0x4b: {  	v3 =	vld.idx.msk [tilespmem:v1+s22+$0x0 ss:$0x1], $0xffff;
	[tilespmem:v0+s23+$0xFFFFFFF0 ss:$0x1] =	vst.idx.msk $0xffff, v7;
	s23 =	smov.u32 s22  }
0x4c: {  	v5 =	vld.idx.msk [tilespmem:v1+s23+$0x10 ss:$0x1], $0xffff;
	[tilespmem:v0+s23+$0x0 ss:$0x1] =	vst.idx.msk $0xffff, v8  }
0x4d: {  	s22 =	sshra.s32 s24, $0x2;
	s24 =	sadd.s32 $0x200, s24;
	[tilespmem:v0+s23+$0xFFFFFF90 ss:$0x1] =	vst.idx.msk $0xffff, v9;
	v7 =	vld.idx.msk [tilespmem:v1+s23+$0x20 ss:$0x1], $0xffff  }
.Ltmp4:
0x4e: {  	_ = 	snop;
	(pc) =	sbr.rel .LBB1_4-.Ltmp4, $1  }
0x4f: {  	_ =	sdelay $0x3  }
.LBB1_6:
0x50: {  	_ =	sfence.sel $0x180000  }
0x51: {  	s1 =	simm.s32 $0x1;
	[bflag:$0x0] =	sbarrier.arrive $0xFFFF  }
0x52: {  	s31 =	simm.s32 $0x2;
	[sflag:s1] =	ssyncpa.u1 $0x1  }
0x53: {  	[sflag:s31] =	ssyncpa.u1 $0x1  }
0x54: {  	p0 =	sne.s32 s0, $0x0;
	_ =	strace $0x90000047  }
0x55: {  	s0 =	sadd.s32 @!p0 $0x100000, s2;
	[bflag:$0x2] =	sbarrier.arrive $0xFFFF  }
0x56: {  	[sflag:s0] =	ssyncadd.tile.s32 @!p0 $0x1;
	_ =	shalt  }
.Lfunc_end1:
_tile_overlayer_lowered:
.L_overlay_start_2:
0x57: {  	(tag) =	ssettag $0x2  }
0x58: {  	s0 =	rddreg [dreg:$0x0];
	s2 =	stileid.u32  }
0x59: {  	s1 =	rddreg [dreg:$0x1];
	p0 =	sne.s32 s2, $0x0  }
0x5a: {  	s3 =	rddreg [dreg:$0x2];
	[bflag:$0x3] =	sbarrier.arrive $0xFFFF;
	s2 =	simm.s32 @!p0 $0x1C01  }
0x5b: {  	[timem:s3], [sflag:s2] =	dma.local @!p0 [hbm:s0], s1  }
0x5c: {  	s0 =	simm.s32 @!p0 $0x1  }
0x5d: {  	_ =	swait.ge @!p0 [sflag:s0], s1  }
0x5e: {  	s1 =	ssub.s32 @!p0 $0x0, s1;
	[sflag:s0] =	ssyncset.done @!p0 $0x0  }
0x5f: {  	[sflag:s0] =	ssyncadd.s32 @!p0 s1  }
0x60: {  	[bflag:$0x3] =	sbarrier.arrive $0xFFFF  }
0x61: {  	_ =	shalt  }

// kernel: sparse-core-data-format-call.cloned.1.call-start
scs
called_computation_lowered:
.L_overlay_start_0:
0x0: {  	s2 =	sld [smem:$0x3FD9]  }
0x1: {  	s3 =	sld [smem:$0x3FFE];
	_ =	sdelay $0x1  }
0x2: {  	s1 =	srdreg.scid  }
0x3: {  	s0 =	sand.u32 $0x1, s1  }
0x4: {  	s18 =	sshll.u32 s0, $0xA;
	s2 =	sadd.s32 s3, s2  }
0x5: {  	s2 =	sadd.s32 s2, s18  }
0x6: {  	[smem:$0x3FC5] =	sst s2  }
0x7: {  	_ = 	snop  }
0x8: {  	s2 =	sld [smem:$0x3FD0];
	(tm) =	ssettm $0x1  }
0x9: {  	s19 =	sld [smem:$0x3FFB];
	_ =	sdelay $0x3  }
0xa: {  	_ =	strace s19  }
0xb: {  	s3 =	sld [smem:$0x3FFC];
	_ =	sdelay $0x3  }
0xc: {  	_ =	strace s3  }
0xd: {  	s3 =	sld [smem:$0x3FFD];
	_ =	sdelay $0x3  }
0xe: {  	_ =	strace s3  }
0xf: {  	_ =	strace $0x8FFFFFFF  }
0x10: {  	s20 =	sld [smem:$0x3FDB];
	_ =	sdelay $0x1  }
0x11: {  	s4 =	simm.s32 $_scs_section_size  }
0x12: {  	s5 =	simm.s32 $_size__tile_overlayer_lowered;
	s6 =	simm.s32 $_tile_overlayer_lowered  }
0x13: {  	s23 =	simm.s32 $0x1BFF;
	s22 =	sshll.u32 s6, $0x1;
	s3 =	sadd.s32 s4, s20  }
0x14: {  	s7 =	simm.s32 $0x0;
	s21 =	sshll.u32 s5, $0x1;
	s5 =	sadd.s32 s22, s3  }
0x15: {  	[timem:s7], [sflag:s23] =	dma.local [hbm:s5], s21  }
0x16: {  	_ =	swait.ge [sflag:s23], s21  }
0x17: {  	s4 =	ssub.s32 $0x0, s21;
	[sflag:s23] =	ssyncset.done $0x0  }
0x18: {  	[sflag:s23] =	ssyncadd.s32 s4;
	_ =	sdelay $0x1  }
0x19: {  	s24 =	simm.s32 $0x1B8B  }
0x1a: {  	_ =	swait.ge [sflag:s24], $0x1  }
0x1b: {  	[sflag:s24] =	ssyncset.done $0x0  }
0x1c: {  	s26 =	simm.s32 $0x1B8E;
	s25 =	sld [smem:$0x3FFE];
	[sflag:s24] =	ssyncadd.s32 $0xFFFFFFFF  }
0x1d: {  	s27 =	simm.s32 $execute0_lowered;
	[smem:$0x3FD2] =	sst s26  }
0x1e: {  	s5 =	sshll.u32 s27, $0x1;
	_ =	strace $0x8000004C;
	[dreg:$0x1] =	wrdreg $0xFFFFFFFF  }
0x1f: {  	s28 =	simm.s32 $_size_execute0_lowered;
	s3 =	sadd.s32 s3, s5;
	[dreg:$0x0] =	wrdreg $0x0  }
0x20: {  	s5 =	sshll.u32 s28, $0x1;
	[dreg:$0x2] =	wrdreg s3  }
0x21: {  	[dreg:$0x3] =	wrdreg s5  }
0x22: {  	[dreg:$0x4] =	wrdreg $0xC0  }
0x23: {  	_ =	task [dreg:s7], $0x5FFFF  }
0x24: {  	[dreg:$0x1] =	wrdreg $0xFFFFFFFF  }
0x25: {  	[dreg:$0x0] =	wrdreg $0x60  }
0x26: {  	[dreg:$0x2] =	wrdreg s25  }
0x27: {  	[dreg:$0x3] =	wrdreg s2  }
0x28: {  	[dreg:$0x4] =	wrdreg $0x9  }
0x29: {  	_ =	task.clear_ibuf [dreg:s7], $0x5FFFF;
	_ =	strace $0x9000004C  }
0x2a: {  	s29 =	simm.s32 $0x9;
	_ =	strace $0x8000004E  }
0x2b: {  	_ =	swait.ge [sflag:s29], $0x1  }
0x2c: {  	[sflag:s29] =	ssyncadd.s32 $0xFFFFFFFF  }
0x2d: {  	_ =	strace $0x9000004E  }
0x2e: {  	_ =	sfence  }
0x2f: {  	s30 =	sld [smem:$0x0];
	_ =	sdelay $0x2  }
0x30: {  	s31 =	sshll.u32 s1, $0xD;
	s1 =	sshrl.u32 s1, $0x2  }
0x31: {  	s3 =	sand.u32 $0x4000, s31;
	s1 =	sadd.s32 s1, s30  }
0x32: {  	s0 =	sor.u32 s3, s0;
	s1 =	sshll.u32 s1, $0x11  }
0x33: {  	s0 =	sor.u32 s1, s0  }
0x34: {  	s0 =	sadd.s32 $0x8F2B, s0  }
0x35: {  	[sflag:s0] =	ssyncadd.remote.s32 $0x1  }
0x36: {  	_ =	sfence.sel $0xFFFF  }
0x37: {  	[dreg:$0x0] =	wrdreg $0xFFFFFFFF;
	(pc) =	sbr.abs _section_cstart, $3  }
0x38: {  	[dreg:$0x1] =	wrdreg $0xFFFFFFFF  }
0x39: {  	_ =	task.clear_ibuf [dreg:s7], $0x2FFFF;
	_ =	strace $0x9FFFFFFF  }
0x3a: {  	(tm) =	ssettm $0x7FFFFFFF  }
0x3b: {  	_ =	shalt  }
tec
execute0_lowered:
.L_overlay_start_1:
0x0: {  	(tag) =	ssettag $0x1  }
0x1: {  	s2 =	stileid.u32  }
0x2: {  	s0 =	srdreg.scid;
	s3 =	rddreg [dreg:$0x0]  }
0x3: {  	s8 =	simm.s32 $0x2;
	s16 =	simm.s32 $0x0;
	s9 =	simm.s32 $0x100000  }
0x4: {  	s10 =	simm.s32 $0x0;
	s1 =	sshll.u32 s2, $0x2;
	s0 =	sshll.u32 s0, $0x6  }
0x5: {  	s17 =	simm.s32 $0x0;
	s19 =	simm.s32 $0x0;
	s0 =	sor.u32 s1, s0  }
0x6: {  	s18 =	simm.s32 $0x0;
	s11 =	simm.s32 $0x0;
	s1 =	sand.u32 $0x78, s0  }
0x7: {  	s12 =	simm.s32 $0x0;
	s2 =	sand.u32 $0x1, s2;
	s0 =	ssub.s32 $0x400, s1  }
0x8: {  	s15 =	simm.s32 $0x0;
	s4 =	ssub.s32 $0x2, s2;
	s5 =	sand.u32 $0x78, s0  }
0x9: {  	s6 =	sshrl.u32 s4, $0x1;
	p0 =	sne.s32 s5, $0x0;
	s5 =	simm.s32 $0x1  }
0xa: {  	s7 =	sand.u32 $0x1, s4;
	s0 =	sshrl.u32 s0, $0x7;
	s5 =	simm.s32 @!p0 $0x0  }
.Ltmp0:
0xb: {  	s6 =	sadd.s32 s7, s6;
	s0 =	sadd.s32 s5, s0;
	(pc) =	sbr.rel .LBB1_1-.Ltmp0, $4  }
0xc: {  	s25 =	simm.s32 $0x0;
	s14 =	smov.u32 s2;
	s0 =	smul.u32 s0, s6  }
0xd: {  	s4 =	rddreg [dreg:$0x1];
	_ =	strace $0x8000004D;
	s5 =	simm.s32 $0x1  }
0xe: {  	s7 =	sadd.s32 $0x8C00, s3;
	[sflag:s5] =	ssyncpa.u1 $0x0;
	s6 =	sshll.u32 s0, $0x2  }
0xf: {  	s13 =	smov.u32 s1;
	[sflag:s8] =	ssyncpa.u1 $0x0;
	s8 =	sor.u32 $0x1, s6  }
.LBB1_7:
0x10: {  	s0 =	sadd.s32 $0x100, s11  }
0x11: {  	s3 =	sadd.s32 $0x8, s12;
	s20 =	smov.u32 s12;
	p1 =	sgt.s32 s0, $0x3FF  }
0x12: {  	s20 =	smov.u32 @p1 s3  }
0x13: {  	s21 =	smov.u32 s13;
	s3 =	sadd.s32 $0x80, s13;
	p2 =	sgt.s32 s20, $0x7  }
0x14: {  	s21 =	smov.u32 @p2 s3  }
0x15: {  	s22 =	smov.u32 s14;
	s3 =	sadd.s32 $0x2, s14;
	p3 =	sgt.s32 s21, $0x3FF  }
0x16: {  	p0 =	slt.u32 s15, $0x2;
	s22 =	smov.u32 @p3 s3  }
0x17: {  	s16 =	smov.u32 s11;
	s0 =	simm.s32 @p1 $0x0;
	p1 =	sgt.s32 s22, $0x1  }
0x18: {  	s17 =	smov.u32 s12;
	s22 =	smov.u32 @p1 s2;
	p1 =	sne.s32 s15, s8  }
.Ltmp1:
0x19: {  	s19 =	smov.u32 s13;
	s18 =	smov.u32 s14;
	(pc) =	sbr.rel @!p1 .LBB1_8-.Ltmp1, $4  }
0x1a: {  	s10 =	sadd.s32 $0x4000, s10;
	s11 =	smov.u32 s0;
	s3 =	simm.s32 @!p0 $0x2  }
0x1b: {  	s20 =	simm.s32 @p2 $0x0;
	s21 =	smov.u32 @p3 s1;
	_ =	swait.ge @!p0 [sflag:s3], $0x4000  }
0x1c: {  	s12 =	smov.u32 s20;
	s13 =	smov.u32 s21;
	[sflag:s3] =	ssyncset.done @!p0 $0x0  }
0x1d: {  	s15 =	sadd.s32 $0x1, s15;
	[sflag:s3] =	ssyncadd.s32 @!p0 $0xFFFFC000;
	s14 =	smov.u32 s22  }
.LBB1_1:
0x1e: {  	p0 =	sge.u32 s15, s6  }
0x1f: {  	s31 =	sadd.s32 $0xFFFFFFFF, s15;
	s0 =	sxor.u32 @!p0 $0xFFFFFFFF, s15  }
0x20: {  	s3 =	sshll.u32 @!p0 s12, $0x7;
	s20 =	sand.u32 @!p0 $0x78, s11;
	s21 =	sshll.u32 @!p0 s14, $0x14  }
0x21: {  	s22 =	sand.u32 @!p0 $0x380, s11;
	s0 =	sshll.u32 @!p0 s0, $0xE;
	s3 =	sand.u32 @!p0 $0x380, s3  }
0x22: {  	s21 =	sadd.s32 @!p0 s7, s21;
	s3 =	sor.u32 @!p0 s20, s3;
	s20 =	sshll.u32 @!p0 s13, $0xA  }
0x23: {  	s0 =	sand.u32 @!p0 $0x4000, s0;
	s20 =	sadd.s32 @!p0 s20, s21;
	s21 =	sand.u32 @!p0 $0x7, s11  }
0x24: {  	s3 =	sshrl.u32 @!p0 s3, $0x3;
	s20 =	sadd.s32 @!p0 s22, s20;
	s21 =	sshll.u32 @!p0 s21, $0x12  }
0x25: {  	s3 =	sadd.s32 @!p0 s3, s20;
	s20 =	sor.u32 @!p0 $0x800, s21;
	s21 =	simm.s32 @!p0 $0x2000  }
0x26: {  	[tilespmem:s0], [sflag:$0x1] =	stream.strided.gather @!p0 [hbm4b:s3+s20], $0x4000, s21, s20, $0x38;
	[tilespmem:$0x10000] =	vst v63  }
0x27: {  	p0 =	sge.u32 s31, s6  }
.Ltmp2:
0x28: {  	_ = 	snop;
	(pc) =	sbr.rel @p0 .LBB1_7-.Ltmp2, $1  }
0x29: {  	_ =	sdelay $0x3  }
0x2a: {  	s0 =	sshll.u32 s10, $0x2;
	_ =	swait.ge [sflag:s5], $0x4000;
	s3 =	sshll.u32 s15, $0xE  }
0x2b: {  	p0 =	por $0x0, $0x0;
	s26 =	simm.s32 $0x0;
	s27 =	simm.s32 $0x0  }
0x2c: {  	s0 =	sand.u32 $0x10000, s0;
	[sflag:s5] =	ssyncset.done $0x0;
	s23 =	sand.u32 $0x4000, s3  }
0x2d: {  	s0 =	sshrl.u32 s0, $0x2;
	[sflag:s5] =	ssyncadd.s32 $0xFFFFC000;
	s20 =	sor.u32 $0x8000, s23  }
0x2e: {  	s21 =	sor.u32 $0x40, s0;
	s22 =	sor.u32 $0x8410, s0;
	s24 =	sadd.s32 $0x8400, s0  }
.LBB1_3:
0x2f: {  	v1 =	vld [tilespmem:s21+$0xFFFFFFD0]  }
0x30: {  	v2 =	vld [tilespmem:s21+$0x430]  }
0x31: {  	s0 =	sshll.u32 s27, $0xB;
	v4 =	vld [tilespmem:s21+$0xFFFFFFE0]  }
0x32: {  	v7 =	vld [tilespmem:s21+$0xFFFFFFF0];
	v0 =	vmov s0  }
0x33: {  	v8 =	vld [tilespmem:s21+$0x0]  }
0x34: {  	v9 =	vld [tilespmem:s21+$0x10];
	s0 =	sand.u32 $0x300, s25  }
0x35: {  	s3 =	sand.u32 $0x80, s25;
	v10 =	vld [tilespmem:s21+$0x20];
	s0 =	sadd.s32 s0, s23  }
0x36: {  	v11 =	vld [tilespmem:s21+$0x30];
	s0 =	sadd.s32 s3, s0;
	s3 =	simm.s32 $0x1;
	[tilespmem:s22+$0x60] =	vst v2  }
0x37: {  	s3 =	simm.s32 @!p0 $0x0;
	[tilespmem:s22+$0xFFFFFC00] =	vst v1;
	v3 =	vld.idx.msk [tilespmem:v0+s0+$0x400 ss:$0x1], $0xffff;
	s0 =	sshll.u32 s26, $0x2  }
0x38: {  	v6 =	vld [tilespmem:s21+$0x3D0];
	s3 =	sshll.u32 s3, $0x9;
	[tilespmem:s22+$0xFFFFFC10] =	vst v4;
	s0 =	sand.u32 $0xFFFFFC00, s0  }
0x39: {  	v5 =	vld [tilespmem:s21+$0x3E0];
	[tilespmem:s22+$0xFFFFFC20] =	vst v7;
	s0 =	sor.u32 s3, s0  }
0x3a: {  	[tilespmem:s22+$0xFFFFFC30] =	vst v8;
	v4 =	vld [tilespmem:s21+$0x400];
	s0 =	sshrl.u32 s0, $0x2  }
0x3b: {  	[tilespmem:s22+$0xFFFFFC40] =	vst v9;
	v1 =	vld [tilespmem:s21+$0x410];
	s28 =	sadd.s32 s0, s24  }
0x3c: {  	[tilespmem:s28+$0x0] =	vst v3;
	v3 =	vld [tilespmem:s21+$0x3F0]  }
0x3d: {  	s31 =	simm.s32 $0x100;
	[tilespmem:s22+$0xFFFFFC50] =	vst v10;
	v2 =	vld [tilespmem:s21+$0x420];
	s3 =	simm.s32 $0x80  }
0x3e: {  	s29 =	sadd.s32 $0x80, s21;
	s30 =	smov.u32 s22;
	v7 =	vld [tilespmem:s21+$0xFFFFFFC0];
	[tilespmem:s22+$0xFFFFFC60] =	vst v11;
	s0 =	sand.u32 $0x300, s3  }
.LBB1_4:
0x3f: {  	p1 =	sne.s32 s31, $0x380;
	v8 =	vld [tilespmem:s29+$0xFFFFFFD0];
	s3 =	sand.u32 $0x80, s3;
	s0 =	sadd.s32 s0, s23;
	[tilespmem:s30+$0x0] =	vst v6  }
0x40: {  	s0 =	sadd.s32 s3, s0;
	v6 =	vld [tilespmem:s29+$0x430];
	[tilespmem:s30+$0x10] =	vst v5;
	s3 =	smov.u32 s31  }
0x41: {  	v5 =	vld.idx.msk [tilespmem:v0+s0+$0x400 ss:$0x1], $0xffff;
	[tilespmem:s30+$0x20] =	vst v3  }
0x42: {  	v3 =	vld [tilespmem:s29+$0xFFFFFFE0];
	[tilespmem:s30+$0x30] =	vst v4  }
0x43: {  	v4 =	vld [tilespmem:s29+$0xFFFFFFF0];
	[tilespmem:s30+$0xFFFFFBF0] =	vst v7  }
0x44: {  	v7 =	vld [tilespmem:s29+$0x0];
	[tilespmem:s30+$0x40] =	vst v1  }
0x45: {  	v1 =	vld [tilespmem:s29+$0x10];
	[tilespmem:s30+$0x50] =	vst v2;
	s30 =	sadd.s32 $0x800, s30  }
0x46: {  	s28 =	sadd.s32 $0x800, s28;
	v2 =	vld [tilespmem:s29+$0x20];
	[tilespmem:s30+$0x60] =	vst v6  }
0x47: {  	v9 =	vld [tilespmem:s29+$0x30];
	[tilespmem:s28+$0x0] =	vst v5  }
0x48: {  	[tilespmem:s30+$0xFFFFFC00] =	vst v8;
	v6 =	vld [tilespmem:s29+$0x3D0]  }
0x49: {  	[tilespmem:s30+$0xFFFFFC10] =	vst v3;
	v5 =	vld [tilespmem:s29+$0x3E0]  }
.Ltmp3:
0x4a: {  	[tilespmem:s30+$0xFFFFFC20] =	vst v4;
	v3 =	vld [tilespmem:s29+$0x3F0];
	(pc) =	sbr.rel @p1 .LBB1_4-.Ltmp3, $4  }
0x4b: {  	[tilespmem:s30+$0xFFFFFC30] =	vst v7;
	v4 =	vld [tilespmem:s29+$0x400]  }
0x4c: {  	[tilespmem:s30+$0xFFFFFC40] =	vst v1;
	v1 =	vld [tilespmem:s29+$0x410]  }
0x4d: {  	[tilespmem:s30+$0xFFFFFC50] =	vst v2;
	v2 =	vld [tilespmem:s29+$0x420]  }
0x4e: {  	s31 =	sadd.s32 $0x80, s31;
	s0 =	sand.u32 $0x300, s3;
	v7 =	vld [tilespmem:s29+$0xFFFFFFC0];
	[tilespmem:s30+$0xFFFFFC60] =	vst v9;
	s29 =	sadd.s32 $0x80, s29  }
0x4f: {  	[tilespmem:s30+$0x0] =	vst v6  }
0x50: {  	[tilespmem:s30+$0x10] =	vst v5  }
0x51: {  	v49 =	vld [tilespmem:s29+$0x430];
	[tilespmem:s30+$0x20] =	vst v3  }
0x52: {  	v50 =	vld [tilespmem:s29+$0xFFFFFFD0];
	[tilespmem:s30+$0x30] =	vst v4  }
0x53: {  	v51 =	vld [tilespmem:s29+$0xFFFFFFE0];
	[tilespmem:s30+$0x40] =	vst v1  }
0x54: {  	v52 =	vld [tilespmem:s29+$0xFFFFFFF0];
	[tilespmem:s30+$0x50] =	vst v2  }
0x55: {  	v53 =	vld [tilespmem:s29+$0x0];
	[tilespmem:s30+$0xFFFFFBF0] =	vst v7;
	s30 =	sadd.s32 $0x800, s30  }
0x56: {  	v54 =	vld [tilespmem:s29+$0x10];
	[tilespmem:s30+$0x60] =	vst v49  }
0x57: {  	v55 =	vld [tilespmem:s29+$0x20];
	[tilespmem:s30+$0xFFFFFC00] =	vst v50  }
0x58: {  	v56 =	vld [tilespmem:s29+$0x30];
	[tilespmem:s30+$0xFFFFFC10] =	vst v51  }
0x59: {  	v57 =	vld [tilespmem:s29+$0x3D0];
	[tilespmem:s30+$0xFFFFFC20] =	vst v52  }
0x5a: {  	v58 =	vld [tilespmem:s29+$0x3E0];
	[tilespmem:s30+$0xFFFFFC30] =	vst v53  }
0x5b: {  	v59 =	vld [tilespmem:s29+$0x3F0];
	[tilespmem:s30+$0xFFFFFC40] =	vst v54  }
0x5c: {  	v60 =	vld [tilespmem:s29+$0x400];
	[tilespmem:s30+$0xFFFFFC50] =	vst v55  }
0x5d: {  	v61 =	vld [tilespmem:s29+$0xFFFFFFC0];
	[tilespmem:s30+$0xFFFFFC60] =	vst v56  }
0x5e: {  	s3 =	sand.u32 $0x80, s3;
	s0 =	sadd.s32 s0, s23;
	v62 =	vld [tilespmem:s29+$0x410];
	[tilespmem:s30+$0x0] =	vst v57  }
0x5f: {  	v63 =	vld [tilespmem:s29+$0x420];
	s27 =	sadd.s32 $0x1, s27;
	s0 =	sadd.s32 s3, s0;
	[tilespmem:s30+$0x10] =	vst v58  }
0x60: {  	p1 =	sne.s32 s27, $0x8;
	v0 =	vld.idx.msk [tilespmem:v0+s0+$0x400 ss:$0x1], $0xffff;
	[tilespmem:s30+$0x20] =	vst v59  }
.Ltmp4:
0x61: {  	[tilespmem:s30+$0x30] =	vst v60;
	(pc) =	sbr.rel @p1 .LBB1_3-.Ltmp4, $4  }
0x62: {  	[tilespmem:s30+$0xFFFFFBF0] =	vst v61  }
0x63: {  	[tilespmem:s30+$0x40] =	vst v62  }
0x64: {  	s31 =	sadd.s32 $0x800, s28;
	s21 =	sadd.s32 $0x800, s21;
	[tilespmem:s30+$0x50] =	vst v63  }
0x65: {  	s26 =	sadd.s32 $0x80, s26;
	p0 =	por !p0, !p0;
	s22 =	sadd.s32 $0x80, s22;
	[tilespmem:s31+$0x0] =	vst v0  }
0x66: {  	s0 =	sshll.u32 s19, $0x7  }
0x67: {  	s3 =	sand.u32 $0x78, s16;
	s18 =	sshll.u32 s18, $0x14;
	s17 =	sshll.u32 s17, $0x11  }
0x68: {  	s30 =	sand.u32 $0x7, s16;
	s19 =	sand.u32 $0x380, s0;
	s0 =	sand.u32 $0x1FC00, s0  }
.Ltmp5:
0x69: {  	s18 =	sadd.s32 s4, s18;
	s3 =	sor.u32 s19, s3;
	(pc) =	sbr.rel .LBB1_7-.Ltmp5, $4  }
0x6a: {  	s0 =	sadd.s32 s16, s0;
	s17 =	sadd.s32 s17, s18;
	s3 =	sshrl.u32 s3, $0x3  }
0x6b: {  	s16 =	sshll.u32 s30, $0x12;
	s0 =	sand.u32 $0x1FF80, s0;
	s3 =	sadd.s32 s3, s17  }
0x6c: {  	s31 =	sor.u32 $0x800, s16;
	s0 =	sadd.s32 s0, s3  }
0x6d: {  	[hbm4b:s0+s31] =	stream.strided.scatter [tilespmem:s20], [sflag:$0x2], $0x4000, s9, s31, $0x38;
	[tilespmem:$0x10000] =	vst v63  }
.LBB1_8:
0x6e: {  	_ =	sfence.sel $0x180000  }
0x6f: {  	s0 =	simm.s32 $0x1;
	[bflag:$0x0] =	sbarrier.arrive $0xFFFF  }
0x70: {  	s30 =	simm.s32 $0x2;
	[sflag:s0] =	ssyncpa.u1 $0x1  }
0x71: {  	[sflag:s30] =	ssyncpa.u1 $0x1  }
0x72: {  	_ =	strace $0x9000004D  }
0x73: {  	s31 =	stileid.u32;
	[bflag:$0x2] =	sbarrier.arrive $0xFFFF  }
0x74: {  	p0 =	sne.s32 s31, $0x0;
	s0 =	rddreg [dreg:$0x2]  }
0x75: {  	s0 =	sadd.s32 @!p0 $0x100000, s0  }
0x76: {  	[sflag:s0] =	ssyncadd.tile.s32 @!p0 $0x1;
	_ =	shalt  }
.Lfunc_end1:
_tile_overlayer_lowered:
.L_overlay_start_2:
0x77: {  	(tag) =	ssettag $0x2  }
0x78: {  	s0 =	rddreg [dreg:$0x0];
	s2 =	stileid.u32  }
0x79: {  	s1 =	rddreg [dreg:$0x1];
	p0 =	sne.s32 s2, $0x0  }
0x7a: {  	s3 =	rddreg [dreg:$0x2];
	[bflag:$0x3] =	sbarrier.arrive $0xFFFF;
	s2 =	simm.s32 @!p0 $0x1C01  }
0x7b: {  	[timem:s3], [sflag:s2] =	dma.local @!p0 [hbm:s0], s1  }
0x7c: {  	s0 =	simm.s32 @!p0 $0x1  }
0x7d: {  	_ =	swait.ge @!p0 [sflag:s0], s1  }
0x7e: {  	s1 =	ssub.s32 @!p0 $0x0, s1;
	[sflag:s0] =	ssyncset.done @!p0 $0x0  }
0x7f: {  	[sflag:s0] =	ssyncadd.s32 @!p0 s1  }
0x80: {  	[bflag:$0x3] =	sbarrier.arrive $0xFFFF  }
0x81: {  	_ =	shalt  }

</sc_bundles>
